<compile_context>
chip_gen: v7x
topology: tpu7x:2x2x1
jax: 0.10.2.dev20260603
libtpu: 0.0.44.dev20260713+nightly
codegen_flags: <defaults>
</compile_context>

<pallas_src>
import functools

import jax
import jax.numpy as jnp
from jax import lax
from jax.experimental import pallas as pl
from jax.experimental.pallas import tpu as pltpu
from jax.experimental.pallas import tpu_sc as plsc

N = 10000
D_IN = 128
HID = 128
FEAT = 128
N_CLUSTERS = 64
E_RAW = 320000
E_TOT = E_RAW + N

NP = 10240
DW = 144
DUMMY = N + 16

NW = 32
C = 80
EP = ((E_TOT + NW * C - 1) // (NW * C)) * (NW * C)
E_PER_W = EP // NW
N_CHUNK = E_PER_W // C
RPT = NP // 16

BM = 1024


def _layer_norm(h, g, b):
    mu = jnp.mean(h, axis=-1, keepdims=True)
    var = jnp.mean((h - mu) ** 2, axis=-1, keepdims=True)
    return (h - mu) / jnp.sqrt(var + 1e-5) * g + b


def _pack144(xl):
    bm = xl.shape[0]
    tag = jnp.where(lax.broadcasted_iota(jnp.int32, (bm, 16), 1) == 0, 1.0, 0.0)
    return jnp.concatenate([xl, tag.astype(jnp.float32)], axis=1)



def _ka_body(x_ref, wp_ref, bp_ref, g_ref, b_ref, wl_ref, wr_ref,
             xlp_ref, xr_ref):
    h = jnp.dot(x_ref[...], wp_ref[...], preferred_element_type=jnp.float32)
    h = h + bp_ref[...]
    hn = _layer_norm(h, g_ref[...], b_ref[...])
    xl = jnp.dot(hn, wl_ref[...], preferred_element_type=jnp.float32)
    xr = jnp.dot(hn, wr_ref[...], preferred_element_type=jnp.float32)
    xlp_ref[...] = _pack144(xl)
    xr_ref[...] = xr


def _tc_proj_first(x, Wp, bp, g, b, Wl, Wr):
    return pl.pallas_call(
        _ka_body,
        grid=(NP // BM,),
        in_specs=[
            pl.BlockSpec((BM, D_IN), lambda i: (i, 0)),
            pl.BlockSpec((D_IN, FEAT), lambda i: (0, 0)),
            pl.BlockSpec((1, FEAT), lambda i: (0, 0)),
            pl.BlockSpec((1, FEAT), lambda i: (0, 0)),
            pl.BlockSpec((1, FEAT), lambda i: (0, 0)),
            pl.BlockSpec((FEAT, FEAT), lambda i: (0, 0)),
            pl.BlockSpec((FEAT, FEAT), lambda i: (0, 0)),
        ],
        out_specs=[
            pl.BlockSpec((BM, DW), lambda i: (i, 0)),
            pl.BlockSpec((BM, FEAT), lambda i: (i, 0)),
        ],
        out_shape=[
            jax.ShapeDtypeStruct((NP, DW), jnp.float32),
            jax.ShapeDtypeStruct((NP, FEAT), jnp.float32),
        ],
    )(x, Wp, bp, g, b, Wl, Wr)



def _combine(acc_ref, bias_ref):
    s = acc_ref[0] + acc_ref[1]
    num = s[:, :FEAT]
    den = s[:, FEAT:FEAT + 1]
    return jnp.maximum(num / (den + 1e-16) + bias_ref[...], 0.0)


def _kc_body(acc_ref, bias_ref, g_ref, b_ref, wl_ref, wr_ref,
             xlp_ref, xr_ref):
    h = _combine(acc_ref, bias_ref)
    hn = _layer_norm(h, g_ref[...], b_ref[...])
    xl = jnp.dot(hn, wl_ref[...], preferred_element_type=jnp.float32)
    xr = jnp.dot(hn, wr_ref[...], preferred_element_type=jnp.float32)
    xlp_ref[...] = _pack144(xl)
    xr_ref[...] = xr


def _tc_combine_mid(acc, bias, g, b, Wl, Wr):
    return pl.pallas_call(
        _kc_body,
        grid=(NP // BM,),
        in_specs=[
            pl.BlockSpec((2, BM, DW), lambda i: (0, i, 0)),
            pl.BlockSpec((1, FEAT), lambda i: (0, 0)),
            pl.BlockSpec((1, FEAT), lambda i: (0, 0)),
            pl.BlockSpec((1, FEAT), lambda i: (0, 0)),
            pl.BlockSpec((FEAT, FEAT), lambda i: (0, 0)),
            pl.BlockSpec((FEAT, FEAT), lambda i: (0, 0)),
        ],
        out_specs=[
            pl.BlockSpec((BM, DW), lambda i: (i, 0)),
            pl.BlockSpec((BM, FEAT), lambda i: (i, 0)),
        ],
        out_shape=[
            jax.ShapeDtypeStruct((NP, DW), jnp.float32),
            jax.ShapeDtypeStruct((NP, FEAT), jnp.float32),
        ],
    )(acc, bias, g, b, Wl, Wr)



def _kd_body(acc_ref, bias_ref, wc_ref, bc_ref, h_ref, cls_ref):
    h = _combine(acc_ref, bias_ref)
    h_ref[...] = h
    cls_ref[...] = jnp.dot(h, wc_ref[...], preferred_element_type=jnp.float32) + bc_ref[...]


def _tc_combine_last(acc, bias, Wc, bc):
    return pl.pallas_call(
        _kd_body,
        grid=(NP // BM,),
        in_specs=[
            pl.BlockSpec((2, BM, DW), lambda i: (0, i, 0)),
            pl.BlockSpec((1, FEAT), lambda i: (0, 0)),
            pl.BlockSpec((FEAT, N_CLUSTERS), lambda i: (0, 0)),
            pl.BlockSpec((1, N_CLUSTERS), lambda i: (0, 0)),
        ],
        out_specs=[
            pl.BlockSpec((BM, FEAT), lambda i: (i, 0)),
            pl.BlockSpec((BM, N_CLUSTERS), lambda i: (i, 0)),
        ],
        out_shape=[
            jax.ShapeDtypeStruct((NP, FEAT), jnp.float32),
            jax.ShapeDtypeStruct((NP, N_CLUSTERS), jnp.float32),
        ],
    )(acc, bias, Wc, bc)



_MESH = plsc.VectorSubcoreMesh(core_axis_name="c", subcore_axis_name="s")


@functools.partial(
    pl.kernel,
    out_type=jax.ShapeDtypeStruct((2, NP, DW), jnp.float32),
    mesh=_MESH,
    compiler_params=pltpu.CompilerParams(
        use_tc_tiling_on_sc=False, needs_layout_passes=False),
    scratch_types=[
        pltpu.VMEM((C,), jnp.int32),
        pltpu.VMEM((C,), jnp.int32),
        pltpu.VMEM((C, DW), jnp.float32),
        pltpu.VMEM((C, FEAT), jnp.float32),
        pltpu.VMEM((FEAT,), jnp.float32),
        pltpu.VMEM_SHARED((NP, DW), jnp.float32),
    ],
)
def _sc_edge_kernel(xlp_hbm, xr_hbm, att_hbm, src_hbm, dst_hbm, zer_hbm,
                    out_hbm, idx_s, idx_d, rows_s, rows_d, att_v, acc_sh):
    cid = lax.axis_index("c")
    sid = lax.axis_index("s")
    w = sid * 2 + cid

    pltpu.sync_copy(zer_hbm.at[pl.ds(sid * RPT, RPT)],
                    acc_sh.at[pl.ds(sid * RPT, RPT)])
    pltpu.sync_copy(att_hbm, att_v)
    plsc.subcore_barrier()

    lane = lax.iota(jnp.int32, 16)

    def chunk_body(ci, carry):
        base = w * E_PER_W + ci * C
        pltpu.sync_copy(src_hbm.at[pl.ds(base, C)], idx_s)
        pltpu.sync_copy(dst_hbm.at[pl.ds(base, C)], idx_d)
        pltpu.sync_copy(xlp_hbm.at[idx_s], rows_s)
        pltpu.sync_copy(xr_hbm.at[idx_d], rows_d)

        def group_body(g, carry2):
            rowid = g * 16 + lane

            def dot_body(f, acc):
                col = jnp.full((16,), f, jnp.int32)
                a_s = plsc.load_gather(rows_s, [rowid, col])
                a_d = plsc.load_gather(rows_d, [rowid, col])
                af = plsc.load_gather(att_v, [col])
                z = a_s + a_d
                m = jnp.maximum(z, 0.2 * z)
                return acc + m * af

            e = lax.fori_loop(0, FEAT, dot_body, jnp.zeros((16,), jnp.float32))
            ee = jnp.exp(e)

            def scale_body(f, carry3):
                col = jnp.full((16,), f, jnp.int32)
                v = plsc.load_gather(rows_s, [rowid, col])
                plsc.store_scatter(rows_s, [rowid, col], v * ee)
                return carry3

            lax.fori_loop(0, DW, scale_body, 0)
            return carry2

        lax.fori_loop(0, C // 16, group_body, 0)
        pltpu.sync_copy(rows_s, acc_sh.at[idx_d], add=True)
        return carry

    lax.fori_loop(0, N_CHUNK, chunk_body, 0)
    plsc.subcore_barrier()
    pltpu.sync_copy(acc_sh.at[pl.ds(sid * RPT, RPT)],
                    out_hbm.at[cid, pl.ds(sid * RPT, RPT)])


def kernel(x, edge_index, Wp, bp, ln_g0, ln_b0, Wl0, Wr0, att0, bias0,
           ln_g1, ln_b1, Wl1, Wr1, att1, bias1, Wc, bc):
    loop = jnp.arange(N, dtype=edge_index.dtype)
    src = jnp.concatenate(
        [edge_index[0], loop,
         jnp.full((EP - E_TOT,), DUMMY, dtype=edge_index.dtype)])
    dst = jnp.concatenate(
        [edge_index[1], loop,
         jnp.full((EP - E_TOT,), DUMMY, dtype=edge_index.dtype)])

    x_pad = jnp.pad(x, ((0, NP - N), (0, 0)))
    zer = jnp.zeros((NP, DW), jnp.float32)

    r2 = lambda v: v.reshape(1, -1)

    xlp, xr = _tc_proj_first(x_pad, Wp, r2(bp), r2(ln_g0), r2(ln_b0), Wl0, Wr0)
    acc0 = _sc_edge_kernel(xlp, xr, att0.reshape(-1), src, dst, zer)
    xlp1, xr1 = _tc_combine_mid(acc0, r2(bias0), r2(ln_g1), r2(ln_b1), Wl1, Wr1)
    acc1 = _sc_edge_kernel(xlp1, xr1, att1.reshape(-1), src, dst, zer)
    h2, cls = _tc_combine_last(acc1, r2(bias1), Wc, r2(bc))

    return (cls[:N], h2[:N])

# --- scband reference (transcript-rebuilt; emitter-appended) ---
"""Pipeline reference for scband-gatv2-classification-no-edge-attr-78314433675487 (READ-ONLY COPY).

The authoritative reference and input builder live on the scoring server;
editing this copy changes nothing except your own understanding.
"""

import jax, jax.numpy as jnp
import numpy as np

N = 10000
E = 320000
D_IN = 128
HID = 128
HEADS = 1
FEAT = HID * HEADS
N_CLUSTERS = 64


def layer_norm(x, g, b, eps=1e-5):
    mu = jnp.mean(x, axis=-1, keepdims=True)
    var = jnp.var(x, axis=-1, keepdims=True)
    return (x - mu) / jnp.sqrt(var + eps) * g + b


def gatv2_conv(x, src, dst, Wl, Wr, att, bias, n):
    # PyG GATv2Conv (concat=True, negative_slope=0.2, bias=True), self-loops already added
    xl = (x @ Wl).reshape(n, HEADS, HID)
    xr = (x @ Wr).reshape(n, HEADS, HID)
    m = jax.nn.leaky_relu(xl[src] + xr[dst], negative_slope=0.2)
    e = jnp.sum(m * att[None, :, :], axis=-1)  # [E, heads]
    emax = jax.lax.stop_gradient(jax.ops.segment_max(e, dst, num_segments=n))
    ee = jnp.exp(e - emax[dst])
    denom = jax.ops.segment_sum(ee, dst, num_segments=n)
    alpha = ee / (denom[dst] + 1e-16)
    out = jax.ops.segment_sum(xl[src] * alpha[:, :, None], dst, num_segments=n)
    return out.reshape(n, HEADS * HID) + bias


def setup_inputs(seed: int = 0):
    key = jax.random.key(seed)
    ks = jax.random.split(key, 16)
    s_in = 1.0 / np.sqrt(D_IN)
    s_f = 1.0 / np.sqrt(FEAT)
    inp = {}
    inp['x'] = jax.random.normal(ks[0], (N, D_IN), dtype=jnp.float32)
    inp['edge_index'] = jax.random.randint(ks[1], (2, E), 0, N, dtype=jnp.int32)
    inp['Wp'] = jax.random.normal(ks[2], (D_IN, FEAT), dtype=jnp.float32) * s_in
    inp['bp'] = jnp.zeros((FEAT,), dtype=jnp.float32)
    for i in range(2):
        inp['ln_g%d' % i] = jnp.ones((FEAT,), dtype=jnp.float32)
        inp['ln_b%d' % i] = jnp.zeros((FEAT,), dtype=jnp.float32)
        inp['Wl%d' % i] = jax.random.normal(ks[3 + 4 * i], (FEAT, HEADS * HID), dtype=jnp.float32) * s_f
        inp['Wr%d' % i] = jax.random.normal(ks[4 + 4 * i], (FEAT, HEADS * HID), dtype=jnp.float32) * s_f
        inp['att%d' % i] = jax.random.normal(ks[5 + 4 * i], (HEADS, HID), dtype=jnp.float32) * s_f
        inp['bias%d' % i] = jnp.zeros((HEADS * HID,), dtype=jnp.float32)
    inp['Wc'] = jax.random.normal(ks[12], (FEAT, N_CLUSTERS), dtype=jnp.float32) * s_f
    inp['bc'] = jnp.zeros((N_CLUSTERS,), dtype=jnp.float32)
    return inp


def reference(x, edge_index, Wp, bp, ln_g0, ln_b0, Wl0, Wr0, att0, bias0, ln_g1, ln_b1, Wl1, Wr1, att1, bias1, Wc, bc):
    n = x.shape[0]
    loop = jnp.arange(n, dtype=edge_index.dtype)
    src = jnp.concatenate([edge_index[0], loop])
    dst = jnp.concatenate([edge_index[1], loop])
    h = x @ Wp + bp  # node_feat_proj
    layers = [(ln_g0, ln_b0, Wl0, Wr0, att0, bias0), (ln_g1, ln_b1, Wl1, Wr1, att1, bias1)]
    for (g, b, Wl, Wr, att, bs) in layers:
        hn = layer_norm(h, g, b)
        hg = gatv2_conv(hn, src, dst, Wl, Wr, att, bs, n)
        h = jax.nn.relu(hg)  # dropout is identity in eval; residual='none'
    node_embeddings = h
    classification_output = h @ Wc + bc
    return (classification_output, node_embeddings)

if __name__ == "__main__":
    import jax
    _d = setup_inputs()
    print(jax.jit(kernel)(*tuple(_d.values())))

</pallas_src>

<mosaic_0001>
#map = affine_map<(d0, d1) -> (0, 0)>
#map1 = affine_map<(d0, d1) -> (0)>
#map2 = affine_map<(d0, d1) -> (0, 0, 0)>
module attributes {stable_mosaic.version = 14 : i64} {
  func.func @_sc_edge_kernel(%arg0: i32, %arg1: i32, %arg2: memref<10240x144xf32, #tpu.memory_space<hbm>>, %arg3: memref<10240x128xf32, #tpu.memory_space<hbm>>, %arg4: memref<128xf32, #tpu.memory_space<hbm>>, %arg5: memref<330240xi32, #tpu.memory_space<hbm>>, %arg6: memref<330240xi32, #tpu.memory_space<hbm>>, %arg7: memref<10240x144xf32, #tpu.memory_space<hbm>>, %arg8: memref<2x10240x144xf32, #tpu.memory_space<hbm>>, %arg9: memref<80xi32, #tpu.memory_space<vmem>>, %arg10: memref<80xi32, #tpu.memory_space<vmem>>, %arg11: memref<80x144xf32, #tpu.memory_space<vmem>>, %arg12: memref<80x128xf32, #tpu.memory_space<vmem>>, %arg13: memref<128xf32, #tpu.memory_space<vmem>>, %arg14: memref<10240x144xf32, #tpu.memory_space<vmem_shared>>) attributes {dimension_semantics = [#tpu.dimension_semantics<core_parallel>, #tpu.dimension_semantics<subcore_parallel>], iteration_bounds = array<i64: 2, 16>, scalar_prefetch = 0 : i64, scratch_operands = 6 : i64, tpu.core_type = #tpu.core_type<sc_vector_subcore>, window_params = [{transform_indices = #map}, {transform_indices = #map}, {transform_indices = #map1}, {transform_indices = #map1}, {transform_indices = #map1}, {transform_indices = #map}, {transform_indices = #map2}]} {
    %mul3A = arith.constant 2 : i32
    %mul3A_0 = arith.muli %arg1, %mul3A : i32
    %add3A = arith.addi %mul3A_0, %arg0 : i32
    %mul3A_1 = arith.constant 640 : i32
    %mul3A_2 = arith.muli %arg1, %mul3A_1 : i32
    %mul3A_3 = arith.constant 640 : i32
    %mul3A_4 = arith.muli %arg1, %mul3A_3 : i32
    "tpu.region"() ({
      %run_scoped3A = tpu.sem_alloc : memref<!tpu.dma_semaphore, #tpu.memory_space<semaphore_mem>>
      %dma_start3A = arith.constant 0 : i32
      %dma_start3A_15 = tpu.memref_slice %arg14[%mul3A_4, %dma_start3A] : memref<10240x144xf32, #tpu.memory_space<vmem_shared>> -> memref<640x144xf32, #tpu.memory_space<vmem_shared>>
      %dma_start3A_16 = arith.constant 0 : i32
      %dma_start3A_17 = tpu.memref_slice %arg7[%mul3A_2, %dma_start3A_16] : memref<10240x144xf32, #tpu.memory_space<hbm>> -> memref<640x144xf32, #tpu.memory_space<hbm>>
      tpu.enqueue_dma source(%dma_start3A_17 : memref<640x144xf32, #tpu.memory_space<hbm>>) target(%dma_start3A_15 : memref<640x144xf32, #tpu.memory_space<vmem_shared>>) target_semaphore(%run_scoped3A : memref<!tpu.dma_semaphore, #tpu.memory_space<semaphore_mem>>)
      %dma_wait3A = arith.constant 0 : i32
      %dma_wait3A_18 = tpu.memref_slice %arg14[%mul3A_4, %dma_wait3A] : memref<10240x144xf32, #tpu.memory_space<vmem_shared>> -> memref<640x144xf32, #tpu.memory_space<vmem_shared>>
      %dma_wait3A_19 = arith.constant 0 : i32
      %dma_wait3A_20 = tpu.memref_slice %arg7[%mul3A_2, %dma_wait3A_19] : memref<10240x144xf32, #tpu.memory_space<hbm>> -> memref<640x144xf32, #tpu.memory_space<hbm>>
      tpu.wait_dma2 semaphore(%run_scoped3A : memref<!tpu.dma_semaphore, #tpu.memory_space<semaphore_mem>>) src(%dma_wait3A_20 : memref<640x144xf32, #tpu.memory_space<hbm>>) dst(%dma_wait3A_18 : memref<640x144xf32, #tpu.memory_space<vmem_shared>>)
      tpu.yield
    }) : () -> ()
    "tpu.region"() ({
      %run_scoped3A = tpu.sem_alloc : memref<!tpu.dma_semaphore, #tpu.memory_space<semaphore_mem>>
      tpu.enqueue_dma source(%arg4 : memref<128xf32, #tpu.memory_space<hbm>>) target(%arg13 : memref<128xf32, #tpu.memory_space<vmem>>) target_semaphore(%run_scoped3A : memref<!tpu.dma_semaphore, #tpu.memory_space<semaphore_mem>>)
      tpu.wait_dma2 semaphore(%run_scoped3A : memref<!tpu.dma_semaphore, #tpu.memory_space<semaphore_mem>>) src(%arg4 : memref<128xf32, #tpu.memory_space<hbm>>) dst(%arg13 : memref<128xf32, #tpu.memory_space<vmem>>)
      tpu.yield
    }) : () -> ()
    %barrier3A = arith.constant 0 : index
    tpu.barrier barrier_id(%barrier3A)
    %iota3A = tpu.iota {dimensions = array<i32: 0>} : vector<16xi32>
    %scan3A = arith.constant 0 : i32
    %scan3A_5 = arith.constant 0 : i32
    %scan3A_6 = arith.constant 129 : i32
    %scan3A_7 = arith.addi %scan3A_5, %scan3A_6 : i32
    %scan3A_8 = arith.constant 1 : i32
    scf.for %scan3A_15 = %scan3A_5 to %scan3A_7 step %scan3A_8  : i32 {
      %mul3A_16 = arith.constant 10320 : i32
      %mul3A_17 = arith.muli %add3A, %mul3A_16 : i32
      %mul3A_18 = arith.constant 80 : i32
      %mul3A_19 = arith.muli %scan3A_15, %mul3A_18 : i32
      %add3A_20 = arith.addi %mul3A_17, %mul3A_19 : i32
      "tpu.region"() ({
        %run_scoped3A = tpu.sem_alloc : memref<!tpu.dma_semaphore, #tpu.memory_space<semaphore_mem>>
        %dma_start3A = tpu.memref_slice %arg5[%add3A_20] : memref<330240xi32, #tpu.memory_space<hbm>> -> memref<80xi32, #tpu.memory_space<hbm>>
        %dma_start3A_27 = tpu.memref_slice %arg5[%add3A_20] : memref<330240xi32, #tpu.memory_space<hbm>> -> memref<80xi32, #tpu.memory_space<hbm>>
        tpu.enqueue_dma source(%dma_start3A_27 : memref<80xi32, #tpu.memory_space<hbm>>) target(%arg9 : memref<80xi32, #tpu.memory_space<vmem>>) target_semaphore(%run_scoped3A : memref<!tpu.dma_semaphore, #tpu.memory_space<semaphore_mem>>)
        %dma_wait3A = tpu.memref_slice %arg5[%add3A_20] : memref<330240xi32, #tpu.memory_space<hbm>> -> memref<80xi32, #tpu.memory_space<hbm>>
        %dma_wait3A_28 = tpu.memref_slice %arg5[%add3A_20] : memref<330240xi32, #tpu.memory_space<hbm>> -> memref<80xi32, #tpu.memory_space<hbm>>
        tpu.wait_dma2 semaphore(%run_scoped3A : memref<!tpu.dma_semaphore, #tpu.memory_space<semaphore_mem>>) src(%dma_wait3A_28 : memref<80xi32, #tpu.memory_space<hbm>>) dst(%arg9 : memref<80xi32, #tpu.memory_space<vmem>>)
        tpu.yield
      }) : () -> ()
      "tpu.region"() ({
        %run_scoped3A = tpu.sem_alloc : memref<!tpu.dma_semaphore, #tpu.memory_space<semaphore_mem>>
        %dma_start3A = tpu.memref_slice %arg6[%add3A_20] : memref<330240xi32, #tpu.memory_space<hbm>> -> memref<80xi32, #tpu.memory_space<hbm>>
        %dma_start3A_27 = tpu.memref_slice %arg6[%add3A_20] : memref<330240xi32, #tpu.memory_space<hbm>> -> memref<80xi32, #tpu.memory_space<hbm>>
        tpu.enqueue_dma source(%dma_start3A_27 : memref<80xi32, #tpu.memory_space<hbm>>) target(%arg10 : memref<80xi32, #tpu.memory_space<vmem>>) target_semaphore(%run_scoped3A : memref<!tpu.dma_semaphore, #tpu.memory_space<semaphore_mem>>)
        %dma_wait3A = tpu.memref_slice %arg6[%add3A_20] : memref<330240xi32, #tpu.memory_space<hbm>> -> memref<80xi32, #tpu.memory_space<hbm>>
        %dma_wait3A_28 = tpu.memref_slice %arg6[%add3A_20] : memref<330240xi32, #tpu.memory_space<hbm>> -> memref<80xi32, #tpu.memory_space<hbm>>
        tpu.wait_dma2 semaphore(%run_scoped3A : memref<!tpu.dma_semaphore, #tpu.memory_space<semaphore_mem>>) src(%dma_wait3A_28 : memref<80xi32, #tpu.memory_space<hbm>>) dst(%arg10 : memref<80xi32, #tpu.memory_space<vmem>>)
        tpu.yield
      }) : () -> ()
      "tpu.region"() ({
        %run_scoped3A = tpu.sem_alloc : memref<!tpu.dma_semaphore, #tpu.memory_space<semaphore_mem>>
        %dma_start3A = arith.constant 0 : i32
        %dma_start3A_27 = arith.constant 0 : i32
        %dma_start3A_28 = tpu.memref_slice %arg2[%dma_start3A, %dma_start3A_27] : memref<10240x144xf32, #tpu.memory_space<hbm>> -> memref<10240x144xf32, #tpu.memory_space<hbm>>
        tpu.enqueue_indirect_dma source(%dma_start3A_28 : memref<10240x144xf32, #tpu.memory_space<hbm>>) target(%arg11 : memref<80x144xf32, #tpu.memory_space<vmem>>) offsets(%arg9 : memref<80xi32, #tpu.memory_space<vmem>>) semaphore(%run_scoped3A : memref<!tpu.dma_semaphore, #tpu.memory_space<semaphore_mem>>)
        %dma_wait3A = arith.constant 0 : i32
        %dma_wait3A_29 = arith.constant 0 : i32
        %dma_wait3A_30 = tpu.memref_slice %arg2[%dma_wait3A, %dma_wait3A_29] : memref<10240x144xf32, #tpu.memory_space<hbm>> -> memref<10240x144xf32, #tpu.memory_space<hbm>>
        tpu.wait_indirect_dma semaphore(%run_scoped3A : memref<!tpu.dma_semaphore, #tpu.memory_space<semaphore_mem>>) src(%dma_wait3A_30 : memref<10240x144xf32, #tpu.memory_space<hbm>>) dst(%arg11 : memref<80x144xf32, #tpu.memory_space<vmem>>)
        tpu.yield
      }) : () -> ()
      "tpu.region"() ({
        %run_scoped3A = tpu.sem_alloc : memref<!tpu.dma_semaphore, #tpu.memory_space<semaphore_mem>>
        %dma_start3A = arith.constant 0 : i32
        %dma_start3A_27 = arith.constant 0 : i32
        %dma_start3A_28 = tpu.memref_slice %arg3[%dma_start3A, %dma_start3A_27] : memref<10240x128xf32, #tpu.memory_space<hbm>> -> memref<10240x128xf32, #tpu.memory_space<hbm>>
        tpu.enqueue_indirect_dma source(%dma_start3A_28 : memref<10240x128xf32, #tpu.memory_space<hbm>>) target(%arg12 : memref<80x128xf32, #tpu.memory_space<vmem>>) offsets(%arg10 : memref<80xi32, #tpu.memory_space<vmem>>) semaphore(%run_scoped3A : memref<!tpu.dma_semaphore, #tpu.memory_space<semaphore_mem>>)
        %dma_wait3A = arith.constant 0 : i32
        %dma_wait3A_29 = arith.constant 0 : i32
        %dma_wait3A_30 = tpu.memref_slice %arg3[%dma_wait3A, %dma_wait3A_29] : memref<10240x128xf32, #tpu.memory_space<hbm>> -> memref<10240x128xf32, #tpu.memory_space<hbm>>
        tpu.wait_indirect_dma semaphore(%run_scoped3A : memref<!tpu.dma_semaphore, #tpu.memory_space<semaphore_mem>>) src(%dma_wait3A_30 : memref<10240x128xf32, #tpu.memory_space<hbm>>) dst(%arg12 : memref<80x128xf32, #tpu.memory_space<vmem>>)
        tpu.yield
      }) : () -> ()
      %scan3A_21 = arith.constant 0 : i32
      %scan3A_22 = arith.constant 0 : i32
      %scan3A_23 = arith.constant 5 : i32
      %scan3A_24 = arith.addi %scan3A_22, %scan3A_23 : i32
      %scan3A_25 = arith.constant 1 : i32
      scf.for %scan3A_27 = %scan3A_22 to %scan3A_24 step %scan3A_25  : i32 {
        %mul3A_28 = arith.constant 16 : i32
        %mul3A_29 = arith.muli %scan3A_27, %mul3A_28 : i32
        %add3A_30 = vector.broadcast %mul3A_29 : i32 to vector<16xi32>
        %add3A_31 = arith.addi %add3A_30, %iota3A : vector<16xi32>
        %broadcast_in_dim3A = arith.constant 0.000000e+00 : f32
        %broadcast_in_dim3A_32 = vector.broadcast %broadcast_in_dim3A : f32 to vector<16xf32>
        %scan3A_33 = arith.constant 0 : i32
        %scan3A_34 = arith.constant 128 : i32
        %scan3A_35 = arith.addi %scan3A_33, %scan3A_34 : i32
        %scan3A_36 = arith.constant 1 : i32
        %scan3A_37 = scf.for %scan3A_45 = %scan3A_33 to %scan3A_35 step %scan3A_36 iter_args(%scan3A_46 = %broadcast_in_dim3A_32) -> (vector<16xf32>)  : i32 {
          %broadcast_in_dim3A_47 = vector.broadcast %scan3A_45 : i32 to vector<16xi32>
          %gather3A = tpu.vector_load_idx %arg11[%add3A_31, %broadcast_in_dim3A_47] : memref<80x144xf32, #tpu.memory_space<vmem>>[vector<16xi32>, vector<16xi32>], vector<16xf32>,
          %gather3A_48 = tpu.vector_load_idx %arg12[%add3A_31, %broadcast_in_dim3A_47] : memref<80x128xf32, #tpu.memory_space<vmem>>[vector<16xi32>, vector<16xi32>], vector<16xf32>,
          %gather3A_49 = tpu.vector_load_idx %arg13[%broadcast_in_dim3A_47] : memref<128xf32, #tpu.memory_space<vmem>>[vector<16xi32>], vector<16xf32>,
          %add3A_50 = arith.addf %gather3A, %gather3A_48 : vector<16xf32>
          %mul3A_51 = arith.constant 2.000000e-01 : f32
          %mul3A_52 = vector.broadcast %mul3A_51 : f32 to vector<16xf32>
          %mul3A_53 = arith.mulf %mul3A_52, %add3A_50 : vector<16xf32>
          %max3A = arith.maximumf %add3A_50, %mul3A_53 : vector<16xf32>
          %mul3A_54 = arith.mulf %max3A, %gather3A_49 : vector<16xf32>
          %add3A_55 = arith.addf %scan3A_46, %mul3A_54 : vector<16xf32>
          scf.yield %add3A_55 : vector<16xf32>
        }
        %scan3A_38 = arith.constant 128 : i32
        %exp3A = math.exp %scan3A_37 : vector<16xf32>
        %scan3A_39 = arith.constant 0 : i32
        %scan3A_40 = arith.constant 0 : i32
        %scan3A_41 = arith.constant 144 : i32
        %scan3A_42 = arith.addi %scan3A_40, %scan3A_41 : i32
        %scan3A_43 = arith.constant 1 : i32
        scf.for %scan3A_45 = %scan3A_40 to %scan3A_42 step %scan3A_43  : i32 {
          %broadcast_in_dim3A_46 = vector.broadcast %scan3A_45 : i32 to vector<16xi32>
          %gather3A = tpu.vector_load_idx %arg11[%add3A_31, %broadcast_in_dim3A_46] : memref<80x144xf32, #tpu.memory_space<vmem>>[vector<16xi32>, vector<16xi32>], vector<16xf32>,
          %mul3A_47 = arith.mulf %gather3A, %exp3A : vector<16xf32>
          tpu.vector_store_idx %arg11[%add3A_31, %broadcast_in_dim3A_46], %mul3A_47 : memref<80x144xf32, #tpu.memory_space<vmem>>[vector<16xi32>, vector<16xi32>], vector<16xf32>,
        }
        %scan3A_44 = arith.constant 144 : i32
      }
      %scan3A_26 = arith.constant 5 : i32
      "tpu.region"() ({
        %run_scoped3A = tpu.sem_alloc : memref<!tpu.dma_semaphore, #tpu.memory_space<semaphore_mem>>
        %dma_start3A = arith.constant 0 : i32
        %dma_start3A_27 = arith.constant 0 : i32
        %dma_start3A_28 = tpu.memref_slice %arg14[%dma_start3A, %dma_start3A_27] : memref<10240x144xf32, #tpu.memory_space<vmem_shared>> -> memref<10240x144xf32, #tpu.memory_space<vmem_shared>>
        tpu.enqueue_indirect_dma source(%arg11 : memref<80x144xf32, #tpu.memory_space<vmem>>) target(%dma_start3A_28 : memref<10240x144xf32, #tpu.memory_space<vmem_shared>>) offsets(%arg10 : memref<80xi32, #tpu.memory_space<vmem>>) semaphore(%run_scoped3A : memref<!tpu.dma_semaphore, #tpu.memory_space<semaphore_mem>>) {add = true}
        %dma_wait3A = arith.constant 0 : i32
        %dma_wait3A_29 = arith.constant 0 : i32
        %dma_wait3A_30 = tpu.memref_slice %arg14[%dma_wait3A, %dma_wait3A_29] : memref<10240x144xf32, #tpu.memory_space<vmem_shared>> -> memref<10240x144xf32, #tpu.memory_space<vmem_shared>>
        tpu.wait_indirect_dma semaphore(%run_scoped3A : memref<!tpu.dma_semaphore, #tpu.memory_space<semaphore_mem>>) src(%arg11 : memref<80x144xf32, #tpu.memory_space<vmem>>) dst(%dma_wait3A_30 : memref<10240x144xf32, #tpu.memory_space<vmem_shared>>)
        tpu.yield
      }) : () -> ()
    }
    %scan3A_9 = arith.constant 129 : i32
    %barrier3A_10 = arith.constant 0 : index
    tpu.barrier barrier_id(%barrier3A_10)
    %mul3A_11 = arith.constant 640 : i32
    %mul3A_12 = arith.muli %arg1, %mul3A_11 : i32
    %mul3A_13 = arith.constant 640 : i32
    %mul3A_14 = arith.muli %arg1, %mul3A_13 : i32
    "tpu.region"() ({
      %run_scoped3A = tpu.sem_alloc : memref<!tpu.dma_semaphore, #tpu.memory_space<semaphore_mem>>
      %dma_start3A = arith.constant 0 : i32
      %dma_start3A_15 = tpu.memref_slice %arg8[%arg0, %mul3A_14, %dma_start3A] : memref<2x10240x144xf32, #tpu.memory_space<hbm>> -> memref<1x640x144xf32, #tpu.memory_space<hbm>>
      %dma_start3A_16 = tpu.memref_squeeze %dma_start3A_15 : memref<1x640x144xf32, #tpu.memory_space<hbm>> -> memref<640x144xf32, #tpu.memory_space<hbm>>
      %dma_start3A_17 = arith.constant 0 : i32
      %dma_start3A_18 = tpu.memref_slice %arg14[%mul3A_12, %dma_start3A_17] : memref<10240x144xf32, #tpu.memory_space<vmem_shared>> -> memref<640x144xf32, #tpu.memory_space<vmem_shared>>
      tpu.enqueue_dma source(%dma_start3A_18 : memref<640x144xf32, #tpu.memory_space<vmem_shared>>) target(%dma_start3A_16 : memref<640x144xf32, #tpu.memory_space<hbm>>) target_semaphore(%run_scoped3A : memref<!tpu.dma_semaphore, #tpu.memory_space<semaphore_mem>>)
      %dma_wait3A = arith.constant 0 : i32
      %dma_wait3A_19 = tpu.memref_slice %arg8[%arg0, %mul3A_14, %dma_wait3A] : memref<2x10240x144xf32, #tpu.memory_space<hbm>> -> memref<1x640x144xf32, #tpu.memory_space<hbm>>
      %dma_wait3A_20 = tpu.memref_squeeze %dma_wait3A_19 : memref<1x640x144xf32, #tpu.memory_space<hbm>> -> memref<640x144xf32, #tpu.memory_space<hbm>>
      %dma_wait3A_21 = arith.constant 0 : i32
      %dma_wait3A_22 = tpu.memref_slice %arg14[%mul3A_12, %dma_wait3A_21] : memref<10240x144xf32, #tpu.memory_space<vmem_shared>> -> memref<640x144xf32, #tpu.memory_space<vmem_shared>>
      tpu.wait_dma2 semaphore(%run_scoped3A : memref<!tpu.dma_semaphore, #tpu.memory_space<semaphore_mem>>) src(%dma_wait3A_22 : memref<640x144xf32, #tpu.memory_space<vmem_shared>>) dst(%dma_wait3A_20 : memref<640x144xf32, #tpu.memory_space<hbm>>)
      tpu.yield
    }) : () -> ()
    return
  }
}

#map = affine_map<(d0, d1) -> (0, 0)>
#map1 = affine_map<(d0, d1) -> (0)>
#map2 = affine_map<(d0, d1) -> (0, 0, 0)>
module attributes {stable_mosaic.version = 14 : i64} {
  func.func @_sc_edge_kernel(%arg0: i32, %arg1: i32, %arg2: memref<10240x144xf32, #tpu.memory_space<hbm>>, %arg3: memref<10240x128xf32, #tpu.memory_space<hbm>>, %arg4: memref<128xf32, #tpu.memory_space<hbm>>, %arg5: memref<330240xi32, #tpu.memory_space<hbm>>, %arg6: memref<330240xi32, #tpu.memory_space<hbm>>, %arg7: memref<10240x144xf32, #tpu.memory_space<hbm>>, %arg8: memref<2x10240x144xf32, #tpu.memory_space<hbm>>, %arg9: memref<80xi32, #tpu.memory_space<vmem>>, %arg10: memref<80xi32, #tpu.memory_space<vmem>>, %arg11: memref<80x144xf32, #tpu.memory_space<vmem>>, %arg12: memref<80x128xf32, #tpu.memory_space<vmem>>, %arg13: memref<128xf32, #tpu.memory_space<vmem>>, %arg14: memref<10240x144xf32, #tpu.memory_space<vmem_shared>>) attributes {dimension_semantics = [#tpu.dimension_semantics<core_parallel>, #tpu.dimension_semantics<subcore_parallel>], iteration_bounds = array<i64: 2, 16>, scalar_prefetch = 0 : i64, scratch_operands = 6 : i64, tpu.core_type = #tpu.core_type<sc_vector_subcore>, window_params = [{transform_indices = #map}, {transform_indices = #map}, {transform_indices = #map1}, {transform_indices = #map1}, {transform_indices = #map1}, {transform_indices = #map}, {transform_indices = #map2}]} {
    %mul3A = arith.constant 2 : i32
    %mul3A_0 = arith.muli %arg1, %mul3A : i32
    %add3A = arith.addi %mul3A_0, %arg0 : i32
    %mul3A_1 = arith.constant 640 : i32
    %mul3A_2 = arith.muli %arg1, %mul3A_1 : i32
    %mul3A_3 = arith.constant 640 : i32
    %mul3A_4 = arith.muli %arg1, %mul3A_3 : i32
    "tpu.region"() ({
      %run_scoped3A = tpu.sem_alloc : memref<!tpu.dma_semaphore, #tpu.memory_space<semaphore_mem>>
      %dma_start3A = arith.constant 0 : i32
      %dma_start3A_15 = tpu.memref_slice %arg14[%mul3A_4, %dma_start3A] : memref<10240x144xf32, #tpu.memory_space<vmem_shared>> -> memref<640x144xf32, #tpu.memory_space<vmem_shared>>
      %dma_start3A_16 = arith.constant 0 : i32
      %dma_start3A_17 = tpu.memref_slice %arg7[%mul3A_2, %dma_start3A_16] : memref<10240x144xf32, #tpu.memory_space<hbm>> -> memref<640x144xf32, #tpu.memory_space<hbm>>
      tpu.enqueue_dma source(%dma_start3A_17 : memref<640x144xf32, #tpu.memory_space<hbm>>) target(%dma_start3A_15 : memref<640x144xf32, #tpu.memory_space<vmem_shared>>) target_semaphore(%run_scoped3A : memref<!tpu.dma_semaphore, #tpu.memory_space<semaphore_mem>>)
      %dma_wait3A = arith.constant 0 : i32
      %dma_wait3A_18 = tpu.memref_slice %arg14[%mul3A_4, %dma_wait3A] : memref<10240x144xf32, #tpu.memory_space<vmem_shared>> -> memref<640x144xf32, #tpu.memory_space<vmem_shared>>
      %dma_wait3A_19 = arith.constant 0 : i32
      %dma_wait3A_20 = tpu.memref_slice %arg7[%mul3A_2, %dma_wait3A_19] : memref<10240x144xf32, #tpu.memory_space<hbm>> -> memref<640x144xf32, #tpu.memory_space<hbm>>
      tpu.wait_dma2 semaphore(%run_scoped3A : memref<!tpu.dma_semaphore, #tpu.memory_space<semaphore_mem>>) src(%dma_wait3A_20 : memref<640x144xf32, #tpu.memory_space<hbm>>) dst(%dma_wait3A_18 : memref<640x144xf32, #tpu.memory_space<vmem_shared>>)
      tpu.yield
    }) : () -> ()
    "tpu.region"() ({
      %run_scoped3A = tpu.sem_alloc : memref<!tpu.dma_semaphore, #tpu.memory_space<semaphore_mem>>
      tpu.enqueue_dma source(%arg4 : memref<128xf32, #tpu.memory_space<hbm>>) target(%arg13 : memref<128xf32, #tpu.memory_space<vmem>>) target_semaphore(%run_scoped3A : memref<!tpu.dma_semaphore, #tpu.memory_space<semaphore_mem>>)
      tpu.wait_dma2 semaphore(%run_scoped3A : memref<!tpu.dma_semaphore, #tpu.memory_space<semaphore_mem>>) src(%arg4 : memref<128xf32, #tpu.memory_space<hbm>>) dst(%arg13 : memref<128xf32, #tpu.memory_space<vmem>>)
      tpu.yield
    }) : () -> ()
    %barrier3A = arith.constant 0 : index
    tpu.barrier barrier_id(%barrier3A)
    %iota3A = tpu.iota {dimensions = array<i32: 0>} : vector<16xi32>
    %scan3A = arith.constant 0 : i32
    %scan3A_5 = arith.constant 0 : i32
    %scan3A_6 = arith.constant 129 : i32
    %scan3A_7 = arith.addi %scan3A_5, %scan3A_6 : i32
    %scan3A_8 = arith.constant 1 : i32
    scf.for %scan3A_15 = %scan3A_5 to %scan3A_7 step %scan3A_8  : i32 {
      %mul3A_16 = arith.constant 10320 : i32
      %mul3A_17 = arith.muli %add3A, %mul3A_16 : i32
      %mul3A_18 = arith.constant 80 : i32
      %mul3A_19 = arith.muli %scan3A_15, %mul3A_18 : i32
      %add3A_20 = arith.addi %mul3A_17, %mul3A_19 : i32
      "tpu.region"() ({
        %run_scoped3A = tpu.sem_alloc : memref<!tpu.dma_semaphore, #tpu.memory_space<semaphore_mem>>
        %dma_start3A = tpu.memref_slice %arg5[%add3A_20] : memref<330240xi32, #tpu.memory_space<hbm>> -> memref<80xi32, #tpu.memory_space<hbm>>
        %dma_start3A_27 = tpu.memref_slice %arg5[%add3A_20] : memref<330240xi32, #tpu.memory_space<hbm>> -> memref<80xi32, #tpu.memory_space<hbm>>
        tpu.enqueue_dma source(%dma_start3A_27 : memref<80xi32, #tpu.memory_space<hbm>>) target(%arg9 : memref<80xi32, #tpu.memory_space<vmem>>) target_semaphore(%run_scoped3A : memref<!tpu.dma_semaphore, #tpu.memory_space<semaphore_mem>>)
        %dma_wait3A = tpu.memref_slice %arg5[%add3A_20] : memref<330240xi32, #tpu.memory_space<hbm>> -> memref<80xi32, #tpu.memory_space<hbm>>
        %dma_wait3A_28 = tpu.memref_slice %arg5[%add3A_20] : memref<330240xi32, #tpu.memory_space<hbm>> -> memref<80xi32, #tpu.memory_space<hbm>>
        tpu.wait_dma2 semaphore(%run_scoped3A : memref<!tpu.dma_semaphore, #tpu.memory_space<semaphore_mem>>) src(%dma_wait3A_28 : memref<80xi32, #tpu.memory_space<hbm>>) dst(%arg9 : memref<80xi32, #tpu.memory_space<vmem>>)
        tpu.yield
      }) : () -> ()
      "tpu.region"() ({
        %run_scoped3A = tpu.sem_alloc : memref<!tpu.dma_semaphore, #tpu.memory_space<semaphore_mem>>
        %dma_start3A = tpu.memref_slice %arg6[%add3A_20] : memref<330240xi32, #tpu.memory_space<hbm>> -> memref<80xi32, #tpu.memory_space<hbm>>
        %dma_start3A_27 = tpu.memref_slice %arg6[%add3A_20] : memref<330240xi32, #tpu.memory_space<hbm>> -> memref<80xi32, #tpu.memory_space<hbm>>
        tpu.enqueue_dma source(%dma_start3A_27 : memref<80xi32, #tpu.memory_space<hbm>>) target(%arg10 : memref<80xi32, #tpu.memory_space<vmem>>) target_semaphore(%run_scoped3A : memref<!tpu.dma_semaphore, #tpu.memory_space<semaphore_mem>>)
        %dma_wait3A = tpu.memref_slice %arg6[%add3A_20] : memref<330240xi32, #tpu.memory_space<hbm>> -> memref<80xi32, #tpu.memory_space<hbm>>
        %dma_wait3A_28 = tpu.memref_slice %arg6[%add3A_20] : memref<330240xi32, #tpu.memory_space<hbm>> -> memref<80xi32, #tpu.memory_space<hbm>>
        tpu.wait_dma2 semaphore(%run_scoped3A : memref<!tpu.dma_semaphore, #tpu.memory_space<semaphore_mem>>) src(%dma_wait3A_28 : memref<80xi32, #tpu.memory_space<hbm>>) dst(%arg10 : memref<80xi32, #tpu.memory_space<vmem>>)
        tpu.yield
      }) : () -> ()
      "tpu.region"() ({
        %run_scoped3A = tpu.sem_alloc : memref<!tpu.dma_semaphore, #tpu.memory_space<semaphore_mem>>
        %dma_start3A = arith.constant 0 : i32
        %dma_start3A_27 = arith.constant 0 : i32
        %dma_start3A_28 = tpu.memref_slice %arg2[%dma_start3A, %dma_start3A_27] : memref<10240x144xf32, #tpu.memory_space<hbm>> -> memref<10240x144xf32, #tpu.memory_space<hbm>>
        tpu.enqueue_indirect_dma source(%dma_start3A_28 : memref<10240x144xf32, #tpu.memory_space<hbm>>) target(%arg11 : memref<80x144xf32, #tpu.memory_space<vmem>>) offsets(%arg9 : memref<80xi32, #tpu.memory_space<vmem>>) semaphore(%run_scoped3A : memref<!tpu.dma_semaphore, #tpu.memory_space<semaphore_mem>>)
        %dma_wait3A = arith.constant 0 : i32
        %dma_wait3A_29 = arith.constant 0 : i32
        %dma_wait3A_30 = tpu.memref_slice %arg2[%dma_wait3A, %dma_wait3A_29] : memref<10240x144xf32, #tpu.memory_space<hbm>> -> memref<10240x144xf32, #tpu.memory_space<hbm>>
        tpu.wait_indirect_dma semaphore(%run_scoped3A : memref<!tpu.dma_semaphore, #tpu.memory_space<semaphore_mem>>) src(%dma_wait3A_30 : memref<10240x144xf32, #tpu.memory_space<hbm>>) dst(%arg11 : memref<80x144xf32, #tpu.memory_space<vmem>>)
        tpu.yield
      }) : () -> ()
      "tpu.region"() ({
        %run_scoped3A = tpu.sem_alloc : memref<!tpu.dma_semaphore, #tpu.memory_space<semaphore_mem>>
        %dma_start3A = arith.constant 0 : i32
        %dma_start3A_27 = arith.constant 0 : i32
        %dma_start3A_28 = tpu.memref_slice %arg3[%dma_start3A, %dma_start3A_27] : memref<10240x128xf32, #tpu.memory_space<hbm>> -> memref<10240x128xf32, #tpu.memory_space<hbm>>
        tpu.enqueue_indirect_dma source(%dma_start3A_28 : memref<10240x128xf32, #tpu.memory_space<hbm>>) target(%arg12 : memref<80x128xf32, #tpu.memory_space<vmem>>) offsets(%arg10 : memref<80xi32, #tpu.memory_space<vmem>>) semaphore(%run_scoped3A : memref<!tpu.dma_semaphore, #tpu.memory_space<semaphore_mem>>)
        %dma_wait3A = arith.constant 0 : i32
        %dma_wait3A_29 = arith.constant 0 : i32
        %dma_wait3A_30 = tpu.memref_slice %arg3[%dma_wait3A, %dma_wait3A_29] : memref<10240x128xf32, #tpu.memory_space<hbm>> -> memref<10240x128xf32, #tpu.memory_space<hbm>>
        tpu.wait_indirect_dma semaphore(%run_scoped3A : memref<!tpu.dma_semaphore, #tpu.memory_space<semaphore_mem>>) src(%dma_wait3A_30 : memref<10240x128xf32, #tpu.memory_space<hbm>>) dst(%arg12 : memref<80x128xf32, #tpu.memory_space<vmem>>)
        tpu.yield
      }) : () -> ()
      %scan3A_21 = arith.constant 0 : i32
      %scan3A_22 = arith.constant 0 : i32
      %scan3A_23 = arith.constant 5 : i32
      %scan3A_24 = arith.addi %scan3A_22, %scan3A_23 : i32
      %scan3A_25 = arith.constant 1 : i32
      scf.for %scan3A_27 = %scan3A_22 to %scan3A_24 step %scan3A_25  : i32 {
        %mul3A_28 = arith.constant 16 : i32
        %mul3A_29 = arith.muli %scan3A_27, %mul3A_28 : i32
        %add3A_30 = vector.broadcast %mul3A_29 : i32 to vector<16xi32>
        %add3A_31 = arith.addi %add3A_30, %iota3A : vector<16xi32>
        %broadcast_in_dim3A = arith.constant 0.000000e+00 : f32
        %broadcast_in_dim3A_32 = vector.broadcast %broadcast_in_dim3A : f32 to vector<16xf32>
        %scan3A_33 = arith.constant 0 : i32
        %scan3A_34 = arith.constant 128 : i32
        %scan3A_35 = arith.addi %scan3A_33, %scan3A_34 : i32
        %scan3A_36 = arith.constant 1 : i32
        %scan3A_37 = scf.for %scan3A_45 = %scan3A_33 to %scan3A_35 step %scan3A_36 iter_args(%scan3A_46 = %broadcast_in_dim3A_32) -> (vector<16xf32>)  : i32 {
          %broadcast_in_dim3A_47 = vector.broadcast %scan3A_45 : i32 to vector<16xi32>
          %gather3A = tpu.vector_load_idx %arg11[%add3A_31, %broadcast_in_dim3A_47] : memref<80x144xf32, #tpu.memory_space<vmem>>[vector<16xi32>, vector<16xi32>], vector<16xf32>,
          %gather3A_48 = tpu.vector_load_idx %arg12[%add3A_31, %broadcast_in_dim3A_47] : memref<80x128xf32, #tpu.memory_space<vmem>>[vector<16xi32>, vector<16xi32>], vector<16xf32>,
          %gather3A_49 = tpu.vector_load_idx %arg13[%broadcast_in_dim3A_47] : memref<128xf32, #tpu.memory_space<vmem>>[vector<16xi32>], vector<16xf32>,
          %add3A_50 = arith.addf %gather3A, %gather3A_48 : vector<16xf32>
          %mul3A_51 = arith.constant 2.000000e-01 : f32
          %mul3A_52 = vector.broadcast %mul3A_51 : f32 to vector<16xf32>
          %mul3A_53 = arith.mulf %mul3A_52, %add3A_50 : vector<16xf32>
          %max3A = arith.maximumf %add3A_50, %mul3A_53 : vector<16xf32>
          %mul3A_54 = arith.mulf %max3A, %gather3A_49 : vector<16xf32>
          %add3A_55 = arith.addf %scan3A_46, %mul3A_54 : vector<16xf32>
          scf.yield %add3A_55 : vector<16xf32>
        }
        %scan3A_38 = arith.constant 128 : i32
        %exp3A = math.exp %scan3A_37 : vector<16xf32>
        %scan3A_39 = arith.constant 0 : i32
        %scan3A_40 = arith.constant 0 : i32
        %scan3A_41 = arith.constant 144 : i32
        %scan3A_42 = arith.addi %scan3A_40, %scan3A_41 : i32
        %scan3A_43 = arith.constant 1 : i32
        scf.for %scan3A_45 = %scan3A_40 to %scan3A_42 step %scan3A_43  : i32 {
          %broadcast_in_dim3A_46 = vector.broadcast %scan3A_45 : i32 to vector<16xi32>
          %gather3A = tpu.vector_load_idx %arg11[%add3A_31, %broadcast_in_dim3A_46] : memref<80x144xf32, #tpu.memory_space<vmem>>[vector<16xi32>, vector<16xi32>], vector<16xf32>,
          %mul3A_47 = arith.mulf %gather3A, %exp3A : vector<16xf32>
          tpu.vector_store_idx %arg11[%add3A_31, %broadcast_in_dim3A_46], %mul3A_47 : memref<80x144xf32, #tpu.memory_space<vmem>>[vector<16xi32>, vector<16xi32>], vector<16xf32>,
        }
        %scan3A_44 = arith.constant 144 : i32
      }
      %scan3A_26 = arith.constant 5 : i32
      "tpu.region"() ({
        %run_scoped3A = tpu.sem_alloc : memref<!tpu.dma_semaphore, #tpu.memory_space<semaphore_mem>>
        %dma_start3A = arith.constant 0 : i32
        %dma_start3A_27 = arith.constant 0 : i32
        %dma_start3A_28 = tpu.memref_slice %arg14[%dma_start3A, %dma_start3A_27] : memref<10240x144xf32, #tpu.memory_space<vmem_shared>> -> memref<10240x144xf32, #tpu.memory_space<vmem_shared>>
        tpu.enqueue_indirect_dma source(%arg11 : memref<80x144xf32, #tpu.memory_space<vmem>>) target(%dma_start3A_28 : memref<10240x144xf32, #tpu.memory_space<vmem_shared>>) offsets(%arg10 : memref<80xi32, #tpu.memory_space<vmem>>) semaphore(%run_scoped3A : memref<!tpu.dma_semaphore, #tpu.memory_space<semaphore_mem>>) {add = true}
        %dma_wait3A = arith.constant 0 : i32
        %dma_wait3A_29 = arith.constant 0 : i32
        %dma_wait3A_30 = tpu.memref_slice %arg14[%dma_wait3A, %dma_wait3A_29] : memref<10240x144xf32, #tpu.memory_space<vmem_shared>> -> memref<10240x144xf32, #tpu.memory_space<vmem_shared>>
        tpu.wait_indirect_dma semaphore(%run_scoped3A : memref<!tpu.dma_semaphore, #tpu.memory_space<semaphore_mem>>) src(%arg11 : memref<80x144xf32, #tpu.memory_space<vmem>>) dst(%dma_wait3A_30 : memref<10240x144xf32, #tpu.memory_space<vmem_shared>>)
        tpu.yield
      }) : () -> ()
    }
    %scan3A_9 = arith.constant 129 : i32
    %barrier3A_10 = arith.constant 0 : index
    tpu.barrier barrier_id(%barrier3A_10)
    %mul3A_11 = arith.constant 640 : i32
    %mul3A_12 = arith.muli %arg1, %mul3A_11 : i32
    %mul3A_13 = arith.constant 640 : i32
    %mul3A_14 = arith.muli %arg1, %mul3A_13 : i32
    "tpu.region"() ({
      %run_scoped3A = tpu.sem_alloc : memref<!tpu.dma_semaphore, #tpu.memory_space<semaphore_mem>>
      %dma_start3A = arith.constant 0 : i32
      %dma_start3A_15 = tpu.memref_slice %arg8[%arg0, %mul3A_14, %dma_start3A] : memref<2x10240x144xf32, #tpu.memory_space<hbm>> -> memref<1x640x144xf32, #tpu.memory_space<hbm>>
      %dma_start3A_16 = tpu.memref_squeeze %dma_start3A_15 : memref<1x640x144xf32, #tpu.memory_space<hbm>> -> memref<640x144xf32, #tpu.memory_space<hbm>>
      %dma_start3A_17 = arith.constant 0 : i32
      %dma_start3A_18 = tpu.memref_slice %arg14[%mul3A_12, %dma_start3A_17] : memref<10240x144xf32, #tpu.memory_space<vmem_shared>> -> memref<640x144xf32, #tpu.memory_space<vmem_shared>>
      tpu.enqueue_dma source(%dma_start3A_18 : memref<640x144xf32, #tpu.memory_space<vmem_shared>>) target(%dma_start3A_16 : memref<640x144xf32, #tpu.memory_space<hbm>>) target_semaphore(%run_scoped3A : memref<!tpu.dma_semaphore, #tpu.memory_space<semaphore_mem>>)
      %dma_wait3A = arith.constant 0 : i32
      %dma_wait3A_19 = tpu.memref_slice %arg8[%arg0, %mul3A_14, %dma_wait3A] : memref<2x10240x144xf32, #tpu.memory_space<hbm>> -> memref<1x640x144xf32, #tpu.memory_space<hbm>>
      %dma_wait3A_20 = tpu.memref_squeeze %dma_wait3A_19 : memref<1x640x144xf32, #tpu.memory_space<hbm>> -> memref<640x144xf32, #tpu.memory_space<hbm>>
      %dma_wait3A_21 = arith.constant 0 : i32
      %dma_wait3A_22 = tpu.memref_slice %arg14[%mul3A_12, %dma_wait3A_21] : memref<10240x144xf32, #tpu.memory_space<vmem_shared>> -> memref<640x144xf32, #tpu.memory_space<vmem_shared>>
      tpu.wait_dma2 semaphore(%run_scoped3A : memref<!tpu.dma_semaphore, #tpu.memory_space<semaphore_mem>>) src(%dma_wait3A_22 : memref<640x144xf32, #tpu.memory_space<vmem_shared>>) dst(%dma_wait3A_20 : memref<640x144xf32, #tpu.memory_space<hbm>>)
      tpu.yield
    }) : () -> ()
    return
  }
}

module attributes {stable_mosaic.version = 14 : i64} {
  func.func @_ka_body(%arg0: i32, %arg1: memref<1024x128xf32, #tpu.memory_space<vmem>>, %arg2: memref<128x128xf32, #tpu.memory_space<vmem>>, %arg3: memref<1x128xf32, #tpu.memory_space<vmem>>, %arg4: memref<1x128xf32, #tpu.memory_space<vmem>>, %arg5: memref<1x128xf32, #tpu.memory_space<vmem>>, %arg6: memref<128x128xf32, #tpu.memory_space<vmem>>, %arg7: memref<128x128xf32, #tpu.memory_space<vmem>>, %arg8: memref<1024x144xf32, #tpu.memory_space<vmem>>, %arg9: memref<1024x128xf32, #tpu.memory_space<vmem>>) attributes {dimension_semantics = [#tpu.dimension_semantics<arbitrary>], iteration_bounds = array<i64: 10>, scalar_prefetch = 0 : i64, scratch_operands = 0 : i64, tpu.core_type = #tpu.core_type<tc>, window_params = [{transform_indices = @transform_0, window_bounds = array<i64: 1024, 128>}, {pipeline_mode = #tpu.pipeline_mode<synchronous>, transform_indices = @transform_1, window_bounds = array<i64: 128, 128>}, {pipeline_mode = #tpu.pipeline_mode<synchronous>, transform_indices = @transform_2, window_bounds = array<i64: 1, 128>}, {pipeline_mode = #tpu.pipeline_mode<synchronous>, transform_indices = @transform_3, window_bounds = array<i64: 1, 128>}, {pipeline_mode = #tpu.pipeline_mode<synchronous>, transform_indices = @transform_4, window_bounds = array<i64: 1, 128>}, {pipeline_mode = #tpu.pipeline_mode<synchronous>, transform_indices = @transform_5, window_bounds = array<i64: 128, 128>}, {pipeline_mode = #tpu.pipeline_mode<synchronous>, transform_indices = @transform_6, window_bounds = array<i64: 128, 128>}, {transform_indices = @transform_7, window_bounds = array<i64: 1024, 144>}, {transform_indices = @transform_8, window_bounds = array<i64: 1024, 128>}]} {
    %get3A = arith.constant 0 : index
    %get3A_0 = arith.constant 0 : index
    %get3A_1 = vector.load %arg1[%get3A, %get3A_0] : memref<1024x128xf32, #tpu.memory_space<vmem>>, vector<1024x128xf32>
    %get3A_2 = arith.constant 0 : index
    %get3A_3 = arith.constant 0 : index
    %get3A_4 = vector.load %arg2[%get3A_2, %get3A_3] : memref<128x128xf32, #tpu.memory_space<vmem>>, vector<128x128xf32>
    %dot_general3A = arith.constant dense<0.000000e+00> : vector<1024x128xf32>
    %dot_general3A_5 = tpu.matmul %get3A_1, %get3A_4, %dot_general3A {dimension_numbers = #tpu.dot_dimension_numbers<[1], [0], [0], [1], [0, 0, 1, 1], [], []>, transpose_lhs_hint = false} : vector<1024x128xf32>, vector<128x128xf32>, vector<1024x128xf32> -> vector<1024x128xf32>
    %get3A_6 = arith.constant 0 : index
    %get3A_7 = arith.constant 0 : index
    %get3A_8 = vector.load %arg3[%get3A_6, %get3A_7] : memref<1x128xf32, #tpu.memory_space<vmem>>, vector<1x128xf32>
    %add3A = vector.broadcast %get3A_8 : vector<1x128xf32> to vector<1024x128xf32>
    %add3A_9 = arith.addf %dot_general3A_5, %add3A : vector<1024x128xf32>
    %get3A_10 = arith.constant 0 : index
    %get3A_11 = arith.constant 0 : index
    %get3A_12 = vector.load %arg4[%get3A_10, %get3A_11] : memref<1x128xf32, #tpu.memory_space<vmem>>, vector<1x128xf32>
    %get3A_13 = arith.constant 0 : index
    %get3A_14 = arith.constant 0 : index
    %get3A_15 = vector.load %arg5[%get3A_13, %get3A_14] : memref<1x128xf32, #tpu.memory_space<vmem>>, vector<1x128xf32>
    %reduce_sum3A = arith.constant dense<0.000000e+00> : vector<1024xf32>
    %reduce_sum3A_16 = vector.multi_reduction <add>, %add3A_9, %reduce_sum3A [1] : vector<1024x128xf32> to vector<1024xf32>
    %broadcast_in_dim3A = vector.shape_cast %reduce_sum3A_16 : vector<1024xf32> to vector<1024x1xf32>
    %div3A = arith.constant 1.280000e+02 : f32
    %div3A_17 = vector.broadcast %div3A : f32 to vector<1024x1xf32>
    %div3A_18 = arith.divf %broadcast_in_dim3A, %div3A_17 : vector<1024x1xf32>
    %sub3A = vector.broadcast %div3A_18 : vector<1024x1xf32> to vector<1024x128xf32>
    %sub3A_19 = arith.subf %add3A_9, %sub3A : vector<1024x128xf32>
    %integer_pow3A = arith.mulf %sub3A_19, %sub3A_19 : vector<1024x128xf32>
    %reduce_sum3A_20 = arith.constant dense<0.000000e+00> : vector<1024xf32>
    %reduce_sum3A_21 = vector.multi_reduction <add>, %integer_pow3A, %reduce_sum3A_20 [1] : vector<1024x128xf32> to vector<1024xf32>
    %broadcast_in_dim3A_22 = vector.shape_cast %reduce_sum3A_21 : vector<1024xf32> to vector<1024x1xf32>
    %div3A_23 = arith.constant 1.280000e+02 : f32
    %div3A_24 = vector.broadcast %div3A_23 : f32 to vector<1024x1xf32>
    %div3A_25 = arith.divf %broadcast_in_dim3A_22, %div3A_24 : vector<1024x1xf32>
    %sub3A_26 = vector.broadcast %div3A_18 : vector<1024x1xf32> to vector<1024x128xf32>
    %sub3A_27 = arith.subf %add3A_9, %sub3A_26 : vector<1024x128xf32>
    %add3A_28 = arith.constant 9.99999974E-6 : f32
    %add3A_29 = vector.broadcast %add3A_28 : f32 to vector<1024x1xf32>
    %add3A_30 = arith.addf %div3A_25, %add3A_29 : vector<1024x1xf32>
    %sqrt3A = math.sqrt %add3A_30 : vector<1024x1xf32>
    %div3A_31 = vector.broadcast %sqrt3A : vector<1024x1xf32> to vector<1024x128xf32>
    %div3A_32 = arith.divf %sub3A_27, %div3A_31 : vector<1024x128xf32>
    %mul3A = vector.broadcast %get3A_12 : vector<1x128xf32> to vector<1024x128xf32>
    %mul3A_33 = arith.mulf %div3A_32, %mul3A : vector<1024x128xf32>
    %add3A_34 = vector.broadcast %get3A_15 : vector<1x128xf32> to vector<1024x128xf32>
    %add3A_35 = arith.addf %mul3A_33, %add3A_34 : vector<1024x128xf32>
    %get3A_36 = arith.constant 0 : index
    %get3A_37 = arith.constant 0 : index
    %get3A_38 = vector.load %arg6[%get3A_36, %get3A_37] : memref<128x128xf32, #tpu.memory_space<vmem>>, vector<128x128xf32>
    %dot_general3A_39 = arith.constant dense<0.000000e+00> : vector<1024x128xf32>
    %dot_general3A_40 = tpu.matmul %add3A_35, %get3A_38, %dot_general3A_39 {dimension_numbers = #tpu.dot_dimension_numbers<[1], [0], [0], [1], [0, 0, 1, 1], [], []>, transpose_lhs_hint = false} : vector<1024x128xf32>, vector<128x128xf32>, vector<1024x128xf32> -> vector<1024x128xf32>
    %get3A_41 = arith.constant 0 : index
    %get3A_42 = arith.constant 0 : index
    %get3A_43 = vector.load %arg7[%get3A_41, %get3A_42] : memref<128x128xf32, #tpu.memory_space<vmem>>, vector<128x128xf32>
    %dot_general3A_44 = arith.constant dense<0.000000e+00> : vector<1024x128xf32>
    %dot_general3A_45 = tpu.matmul %add3A_35, %get3A_43, %dot_general3A_44 {dimension_numbers = #tpu.dot_dimension_numbers<[1], [0], [0], [1], [0, 0, 1, 1], [], []>, transpose_lhs_hint = false} : vector<1024x128xf32>, vector<128x128xf32>, vector<1024x128xf32> -> vector<1024x128xf32>
    %iota3A = tpu.iota {dimensions = array<i32: 1>} : vector<1024x16xi32>
    %eq3A = arith.constant 0 : i32
    %eq3A_46 = vector.broadcast %eq3A : i32 to vector<1024x16xi32>
    %eq3A_47 = arith.cmpi eq, %iota3A, %eq3A_46 : vector<1024x16xi32>
    %jit3A = arith.constant 1.000000e+00 : f32
    %jit3A_48 = arith.constant 0.000000e+00 : f32
    %broadcast_in_dim3A_49 = vector.broadcast %jit3A : f32 to vector<1024x16xf32>
    %broadcast_in_dim3A_50 = vector.broadcast %jit3A_48 : f32 to vector<1024x16xf32>
    %select_n3A = arith.select %eq3A_47, %broadcast_in_dim3A_49, %broadcast_in_dim3A_50 : vector<1024x16xi1>, vector<1024x16xf32>
    %concatenate3A = tpu.concatenate %dot_general3A_40, %select_n3A in 1 : vector<1024x128xf32>, vector<1024x16xf32> -> vector<1024x144xf32>
    %swap3A = arith.constant 0 : index
    %swap3A_51 = arith.constant 0 : index
    %swap3A_52 = vector.load %arg8[%swap3A, %swap3A_51] : memref<1024x144xf32, #tpu.memory_space<vmem>>, vector<1024x144xf32>
    tpu.vector_store %arg8[%swap3A, %swap3A_51], %concatenate3A {strides = array<i32>} : memref<1024x144xf32, #tpu.memory_space<vmem>>, vector<1024x144xf32>,
    %swap3A_53 = arith.constant 0 : index
    %swap3A_54 = arith.constant 0 : index
    %swap3A_55 = vector.load %arg9[%swap3A_53, %swap3A_54] : memref<1024x128xf32, #tpu.memory_space<vmem>>, vector<1024x128xf32>
    tpu.vector_store %arg9[%swap3A_53, %swap3A_54], %dot_general3A_45 {strides = array<i32>} : memref<1024x128xf32, #tpu.memory_space<vmem>>, vector<1024x128xf32>,
    return
  }
  func.func @transform_0(%arg0: i32) -> (i32, i32) {
    %c0_i32 = arith.constant 0 : i32
    %c0_i32_0 = arith.constant 0 : i32
    return %arg0, %c0_i32 : i32, i32
  }
  func.func @transform_1(%arg0: i32) -> (i32, i32) {
    %c0_i32 = arith.constant 0 : i32
    %c0_i32_0 = arith.constant 0 : i32
    %c0_i32_1 = arith.constant 0 : i32
    return %c0_i32, %c0_i32_0 : i32, i32
  }
  func.func @transform_2(%arg0: i32) -> (i32, i32) {
    %c0_i32 = arith.constant 0 : i32
    %c0_i32_0 = arith.constant 0 : i32
    %c0_i32_1 = arith.constant 0 : i32
    return %c0_i32, %c0_i32_0 : i32, i32
  }
  func.func @transform_3(%arg0: i32) -> (i32, i32) {
    %c0_i32 = arith.constant 0 : i32
    %c0_i32_0 = arith.constant 0 : i32
    %c0_i32_1 = arith.constant 0 : i32
    return %c0_i32, %c0_i32_0 : i32, i32
  }
  func.func @transform_4(%arg0: i32) -> (i32, i32) {
    %c0_i32 = arith.constant 0 : i32
    %c0_i32_0 = arith.constant 0 : i32
    %c0_i32_1 = arith.constant 0 : i32
    return %c0_i32, %c0_i32_0 : i32, i32
  }
  func.func @transform_5(%arg0: i32) -> (i32, i32) {
    %c0_i32 = arith.constant 0 : i32
    %c0_i32_0 = arith.constant 0 : i32
    %c0_i32_1 = arith.constant 0 : i32
    return %c0_i32, %c0_i32_0 : i32, i32
  }
  func.func @transform_6(%arg0: i32) -> (i32, i32) {
    %c0_i32 = arith.constant 0 : i32
    %c0_i32_0 = arith.constant 0 : i32
    %c0_i32_1 = arith.constant 0 : i32
    return %c0_i32, %c0_i32_0 : i32, i32
  }
  func.func @transform_7(%arg0: i32) -> (i32, i32) {
    %c0_i32 = arith.constant 0 : i32
    %c0_i32_0 = arith.constant 0 : i32
    return %arg0, %c0_i32 : i32, i32
  }
  func.func @transform_8(%arg0: i32) -> (i32, i32) {
    %c0_i32 = arith.constant 0 : i32
    %c0_i32_0 = arith.constant 0 : i32
    return %arg0, %c0_i32 : i32, i32
  }
}

module attributes {stable_mosaic.version = 14 : i64} {
  func.func @_kc_body(%arg0: i32, %arg1: memref<2x1024x144xf32, #tpu.memory_space<vmem>>, %arg2: memref<1x128xf32, #tpu.memory_space<vmem>>, %arg3: memref<1x128xf32, #tpu.memory_space<vmem>>, %arg4: memref<1x128xf32, #tpu.memory_space<vmem>>, %arg5: memref<128x128xf32, #tpu.memory_space<vmem>>, %arg6: memref<128x128xf32, #tpu.memory_space<vmem>>, %arg7: memref<1024x144xf32, #tpu.memory_space<vmem>>, %arg8: memref<1024x128xf32, #tpu.memory_space<vmem>>) attributes {dimension_semantics = [#tpu.dimension_semantics<arbitrary>], iteration_bounds = array<i64: 10>, scalar_prefetch = 0 : i64, scratch_operands = 0 : i64, tpu.core_type = #tpu.core_type<tc>, window_params = [{transform_indices = @transform_0, window_bounds = array<i64: 2, 1024, 144>}, {pipeline_mode = #tpu.pipeline_mode<synchronous>, transform_indices = @transform_1, window_bounds = array<i64: 1, 128>}, {pipeline_mode = #tpu.pipeline_mode<synchronous>, transform_indices = @transform_2, window_bounds = array<i64: 1, 128>}, {pipeline_mode = #tpu.pipeline_mode<synchronous>, transform_indices = @transform_3, window_bounds = array<i64: 1, 128>}, {pipeline_mode = #tpu.pipeline_mode<synchronous>, transform_indices = @transform_4, window_bounds = array<i64: 128, 128>}, {pipeline_mode = #tpu.pipeline_mode<synchronous>, transform_indices = @transform_5, window_bounds = array<i64: 128, 128>}, {transform_indices = @transform_6, window_bounds = array<i64: 1024, 144>}, {transform_indices = @transform_7, window_bounds = array<i64: 1024, 128>}]} {
    %get3A = arith.constant 0 : index
    %get3A_0 = arith.constant 0 : index
    %get3A_1 = arith.constant 0 : index
    %get3A_2 = vector.load %arg1[%get3A, %get3A_0, %get3A_1] : memref<2x1024x144xf32, #tpu.memory_space<vmem>>, vector<1x1024x144xf32>
    %get3A_3 = vector.shape_cast %get3A_2 : vector<1x1024x144xf32> to vector<1024x144xf32>
    %get3A_4 = arith.constant 1 : index
    %get3A_5 = arith.constant 0 : index
    %get3A_6 = arith.constant 0 : index
    %get3A_7 = vector.load %arg1[%get3A_4, %get3A_5, %get3A_6] : memref<2x1024x144xf32, #tpu.memory_space<vmem>>, vector<1x1024x144xf32>
    %get3A_8 = vector.shape_cast %get3A_7 : vector<1x1024x144xf32> to vector<1024x144xf32>
    %add3A = arith.addf %get3A_3, %get3A_8 : vector<1024x144xf32>
    %slice3A = vector.extract_strided_slice %add3A {offsets = [0, 0], sizes = [1024, 128], strides = [1, 1]} : vector<1024x144xf32> to vector<1024x128xf32>
    %slice3A_9 = vector.extract_strided_slice %add3A {offsets = [0, 128], sizes = [1024, 1], strides = [1, 1]} : vector<1024x144xf32> to vector<1024x1xf32>
    %add3A_10 = arith.constant 1.000000e-16 : f32
    %add3A_11 = vector.broadcast %add3A_10 : f32 to vector<1024x1xf32>
    %add3A_12 = arith.addf %slice3A_9, %add3A_11 : vector<1024x1xf32>
    %div3A = vector.broadcast %add3A_12 : vector<1024x1xf32> to vector<1024x128xf32>
    %div3A_13 = arith.divf %slice3A, %div3A : vector<1024x128xf32>
    %get3A_14 = arith.constant 0 : index
    %get3A_15 = arith.constant 0 : index
    %get3A_16 = vector.load %arg2[%get3A_14, %get3A_15] : memref<1x128xf32, #tpu.memory_space<vmem>>, vector<1x128xf32>
    %add3A_17 = vector.broadcast %get3A_16 : vector<1x128xf32> to vector<1024x128xf32>
    %add3A_18 = arith.addf %div3A_13, %add3A_17 : vector<1024x128xf32>
    %max3A = arith.constant 0.000000e+00 : f32
    %max3A_19 = vector.broadcast %max3A : f32 to vector<1024x128xf32>
    %max3A_20 = arith.maximumf %add3A_18, %max3A_19 : vector<1024x128xf32>
    %get3A_21 = arith.constant 0 : index
    %get3A_22 = arith.constant 0 : index
    %get3A_23 = vector.load %arg3[%get3A_21, %get3A_22] : memref<1x128xf32, #tpu.memory_space<vmem>>, vector<1x128xf32>
    %get3A_24 = arith.constant 0 : index
    %get3A_25 = arith.constant 0 : index
    %get3A_26 = vector.load %arg4[%get3A_24, %get3A_25] : memref<1x128xf32, #tpu.memory_space<vmem>>, vector<1x128xf32>
    %reduce_sum3A = arith.constant dense<0.000000e+00> : vector<1024xf32>
    %reduce_sum3A_27 = vector.multi_reduction <add>, %max3A_20, %reduce_sum3A [1] : vector<1024x128xf32> to vector<1024xf32>
    %broadcast_in_dim3A = vector.shape_cast %reduce_sum3A_27 : vector<1024xf32> to vector<1024x1xf32>
    %div3A_28 = arith.constant 1.280000e+02 : f32
    %div3A_29 = vector.broadcast %div3A_28 : f32 to vector<1024x1xf32>
    %div3A_30 = arith.divf %broadcast_in_dim3A, %div3A_29 : vector<1024x1xf32>
    %sub3A = vector.broadcast %div3A_30 : vector<1024x1xf32> to vector<1024x128xf32>
    %sub3A_31 = arith.subf %max3A_20, %sub3A : vector<1024x128xf32>
    %integer_pow3A = arith.mulf %sub3A_31, %sub3A_31 : vector<1024x128xf32>
    %reduce_sum3A_32 = arith.constant dense<0.000000e+00> : vector<1024xf32>
    %reduce_sum3A_33 = vector.multi_reduction <add>, %integer_pow3A, %reduce_sum3A_32 [1] : vector<1024x128xf32> to vector<1024xf32>
    %broadcast_in_dim3A_34 = vector.shape_cast %reduce_sum3A_33 : vector<1024xf32> to vector<1024x1xf32>
    %div3A_35 = arith.constant 1.280000e+02 : f32
    %div3A_36 = vector.broadcast %div3A_35 : f32 to vector<1024x1xf32>
    %div3A_37 = arith.divf %broadcast_in_dim3A_34, %div3A_36 : vector<1024x1xf32>
    %sub3A_38 = vector.broadcast %div3A_30 : vector<1024x1xf32> to vector<1024x128xf32>
    %sub3A_39 = arith.subf %max3A_20, %sub3A_38 : vector<1024x128xf32>
    %add3A_40 = arith.constant 9.99999974E-6 : f32
    %add3A_41 = vector.broadcast %add3A_40 : f32 to vector<1024x1xf32>
    %add3A_42 = arith.addf %div3A_37, %add3A_41 : vector<1024x1xf32>
    %sqrt3A = math.sqrt %add3A_42 : vector<1024x1xf32>
    %div3A_43 = vector.broadcast %sqrt3A : vector<1024x1xf32> to vector<1024x128xf32>
    %div3A_44 = arith.divf %sub3A_39, %div3A_43 : vector<1024x128xf32>
    %mul3A = vector.broadcast %get3A_23 : vector<1x128xf32> to vector<1024x128xf32>
    %mul3A_45 = arith.mulf %div3A_44, %mul3A : vector<1024x128xf32>
    %add3A_46 = vector.broadcast %get3A_26 : vector<1x128xf32> to vector<1024x128xf32>
    %add3A_47 = arith.addf %mul3A_45, %add3A_46 : vector<1024x128xf32>
    %get3A_48 = arith.constant 0 : index
    %get3A_49 = arith.constant 0 : index
    %get3A_50 = vector.load %arg5[%get3A_48, %get3A_49] : memref<128x128xf32, #tpu.memory_space<vmem>>, vector<128x128xf32>
    %dot_general3A = arith.constant dense<0.000000e+00> : vector<1024x128xf32>
    %dot_general3A_51 = tpu.matmul %add3A_47, %get3A_50, %dot_general3A {dimension_numbers = #tpu.dot_dimension_numbers<[1], [0], [0], [1], [0, 0, 1, 1], [], []>, transpose_lhs_hint = false} : vector<1024x128xf32>, vector<128x128xf32>, vector<1024x128xf32> -> vector<1024x128xf32>
    %get3A_52 = arith.constant 0 : index
    %get3A_53 = arith.constant 0 : index
    %get3A_54 = vector.load %arg6[%get3A_52, %get3A_53] : memref<128x128xf32, #tpu.memory_space<vmem>>, vector<128x128xf32>
    %dot_general3A_55 = arith.constant dense<0.000000e+00> : vector<1024x128xf32>
    %dot_general3A_56 = tpu.matmul %add3A_47, %get3A_54, %dot_general3A_55 {dimension_numbers = #tpu.dot_dimension_numbers<[1], [0], [0], [1], [0, 0, 1, 1], [], []>, transpose_lhs_hint = false} : vector<1024x128xf32>, vector<128x128xf32>, vector<1024x128xf32> -> vector<1024x128xf32>
    %iota3A = tpu.iota {dimensions = array<i32: 1>} : vector<1024x16xi32>
    %eq3A = arith.constant 0 : i32
    %eq3A_57 = vector.broadcast %eq3A : i32 to vector<1024x16xi32>
    %eq3A_58 = arith.cmpi eq, %iota3A, %eq3A_57 : vector<1024x16xi32>
    %jit3A = arith.constant 1.000000e+00 : f32
    %jit3A_59 = arith.constant 0.000000e+00 : f32
    %broadcast_in_dim3A_60 = vector.broadcast %jit3A : f32 to vector<1024x16xf32>
    %broadcast_in_dim3A_61 = vector.broadcast %jit3A_59 : f32 to vector<1024x16xf32>
    %select_n3A = arith.select %eq3A_58, %broadcast_in_dim3A_60, %broadcast_in_dim3A_61 : vector<1024x16xi1>, vector<1024x16xf32>
    %concatenate3A = tpu.concatenate %dot_general3A_51, %select_n3A in 1 : vector<1024x128xf32>, vector<1024x16xf32> -> vector<1024x144xf32>
    %swap3A = arith.constant 0 : index
    %swap3A_62 = arith.constant 0 : index
    %swap3A_63 = vector.load %arg7[%swap3A, %swap3A_62] : memref<1024x144xf32, #tpu.memory_space<vmem>>, vector<1024x144xf32>
    tpu.vector_store %arg7[%swap3A, %swap3A_62], %concatenate3A {strides = array<i32>} : memref<1024x144xf32, #tpu.memory_space<vmem>>, vector<1024x144xf32>,
    %swap3A_64 = arith.constant 0 : index
    %swap3A_65 = arith.constant 0 : index
    %swap3A_66 = vector.load %arg8[%swap3A_64, %swap3A_65] : memref<1024x128xf32, #tpu.memory_space<vmem>>, vector<1024x128xf32>
    tpu.vector_store %arg8[%swap3A_64, %swap3A_65], %dot_general3A_56 {strides = array<i32>} : memref<1024x128xf32, #tpu.memory_space<vmem>>, vector<1024x128xf32>,
    return
  }
  func.func @transform_0(%arg0: i32) -> (i32, i32, i32) {
    %c0_i32 = arith.constant 0 : i32
    %c0_i32_0 = arith.constant 0 : i32
    %c0_i32_1 = arith.constant 0 : i32
    return %c0_i32, %arg0, %c0_i32_0 : i32, i32, i32
  }
  func.func @transform_1(%arg0: i32) -> (i32, i32) {
    %c0_i32 = arith.constant 0 : i32
    %c0_i32_0 = arith.constant 0 : i32
    %c0_i32_1 = arith.constant 0 : i32
    return %c0_i32, %c0_i32_0 : i32, i32
  }
  func.func @transform_2(%arg0: i32) -> (i32, i32) {
    %c0_i32 = arith.constant 0 : i32
    %c0_i32_0 = arith.constant 0 : i32
    %c0_i32_1 = arith.constant 0 : i32
    return %c0_i32, %c0_i32_0 : i32, i32
  }
  func.func @transform_3(%arg0: i32) -> (i32, i32) {
    %c0_i32 = arith.constant 0 : i32
    %c0_i32_0 = arith.constant 0 : i32
    %c0_i32_1 = arith.constant 0 : i32
    return %c0_i32, %c0_i32_0 : i32, i32
  }
  func.func @transform_4(%arg0: i32) -> (i32, i32) {
    %c0_i32 = arith.constant 0 : i32
    %c0_i32_0 = arith.constant 0 : i32
    %c0_i32_1 = arith.constant 0 : i32
    return %c0_i32, %c0_i32_0 : i32, i32
  }
  func.func @transform_5(%arg0: i32) -> (i32, i32) {
    %c0_i32 = arith.constant 0 : i32
    %c0_i32_0 = arith.constant 0 : i32
    %c0_i32_1 = arith.constant 0 : i32
    return %c0_i32, %c0_i32_0 : i32, i32
  }
  func.func @transform_6(%arg0: i32) -> (i32, i32) {
    %c0_i32 = arith.constant 0 : i32
    %c0_i32_0 = arith.constant 0 : i32
    return %arg0, %c0_i32 : i32, i32
  }
  func.func @transform_7(%arg0: i32) -> (i32, i32) {
    %c0_i32 = arith.constant 0 : i32
    %c0_i32_0 = arith.constant 0 : i32
    return %arg0, %c0_i32 : i32, i32
  }
}

module attributes {stable_mosaic.version = 14 : i64} {
  func.func @_kd_body(%arg0: i32, %arg1: memref<2x1024x144xf32, #tpu.memory_space<vmem>>, %arg2: memref<1x128xf32, #tpu.memory_space<vmem>>, %arg3: memref<128x64xf32, #tpu.memory_space<vmem>>, %arg4: memref<1x64xf32, #tpu.memory_space<vmem>>, %arg5: memref<1024x128xf32, #tpu.memory_space<vmem>>, %arg6: memref<1024x64xf32, #tpu.memory_space<vmem>>) attributes {dimension_semantics = [#tpu.dimension_semantics<arbitrary>], iteration_bounds = array<i64: 10>, scalar_prefetch = 0 : i64, scratch_operands = 0 : i64, tpu.core_type = #tpu.core_type<tc>, window_params = [{transform_indices = @transform_0, window_bounds = array<i64: 2, 1024, 144>}, {pipeline_mode = #tpu.pipeline_mode<synchronous>, transform_indices = @transform_1, window_bounds = array<i64: 1, 128>}, {pipeline_mode = #tpu.pipeline_mode<synchronous>, transform_indices = @transform_2, window_bounds = array<i64: 128, 64>}, {pipeline_mode = #tpu.pipeline_mode<synchronous>, transform_indices = @transform_3, window_bounds = array<i64: 1, 64>}, {transform_indices = @transform_4, window_bounds = array<i64: 1024, 128>}, {transform_indices = @transform_5, window_bounds = array<i64: 1024, 64>}]} {
    %get3A = arith.constant 0 : index
    %get3A_0 = arith.constant 0 : index
    %get3A_1 = arith.constant 0 : index
    %get3A_2 = vector.load %arg1[%get3A, %get3A_0, %get3A_1] : memref<2x1024x144xf32, #tpu.memory_space<vmem>>, vector<1x1024x144xf32>
    %get3A_3 = vector.shape_cast %get3A_2 : vector<1x1024x144xf32> to vector<1024x144xf32>
    %get3A_4 = arith.constant 1 : index
    %get3A_5 = arith.constant 0 : index
    %get3A_6 = arith.constant 0 : index
    %get3A_7 = vector.load %arg1[%get3A_4, %get3A_5, %get3A_6] : memref<2x1024x144xf32, #tpu.memory_space<vmem>>, vector<1x1024x144xf32>
    %get3A_8 = vector.shape_cast %get3A_7 : vector<1x1024x144xf32> to vector<1024x144xf32>
    %add3A = arith.addf %get3A_3, %get3A_8 : vector<1024x144xf32>
    %slice3A = vector.extract_strided_slice %add3A {offsets = [0, 0], sizes = [1024, 128], strides = [1, 1]} : vector<1024x144xf32> to vector<1024x128xf32>
    %slice3A_9 = vector.extract_strided_slice %add3A {offsets = [0, 128], sizes = [1024, 1], strides = [1, 1]} : vector<1024x144xf32> to vector<1024x1xf32>
    %add3A_10 = arith.constant 1.000000e-16 : f32
    %add3A_11 = vector.broadcast %add3A_10 : f32 to vector<1024x1xf32>
    %add3A_12 = arith.addf %slice3A_9, %add3A_11 : vector<1024x1xf32>
    %div3A = vector.broadcast %add3A_12 : vector<1024x1xf32> to vector<1024x128xf32>
    %div3A_13 = arith.divf %slice3A, %div3A : vector<1024x128xf32>
    %get3A_14 = arith.constant 0 : index
    %get3A_15 = arith.constant 0 : index
    %get3A_16 = vector.load %arg2[%get3A_14, %get3A_15] : memref<1x128xf32, #tpu.memory_space<vmem>>, vector<1x128xf32>
    %add3A_17 = vector.broadcast %get3A_16 : vector<1x128xf32> to vector<1024x128xf32>
    %add3A_18 = arith.addf %div3A_13, %add3A_17 : vector<1024x128xf32>
    %max3A = arith.constant 0.000000e+00 : f32
    %max3A_19 = vector.broadcast %max3A : f32 to vector<1024x128xf32>
    %max3A_20 = arith.maximumf %add3A_18, %max3A_19 : vector<1024x128xf32>
    %swap3A = arith.constant 0 : index
    %swap3A_21 = arith.constant 0 : index
    %swap3A_22 = vector.load %arg5[%swap3A, %swap3A_21] : memref<1024x128xf32, #tpu.memory_space<vmem>>, vector<1024x128xf32>
    tpu.vector_store %arg5[%swap3A, %swap3A_21], %max3A_20 {strides = array<i32>} : memref<1024x128xf32, #tpu.memory_space<vmem>>, vector<1024x128xf32>,
    %get3A_23 = arith.constant 0 : index
    %get3A_24 = arith.constant 0 : index
    %get3A_25 = vector.load %arg3[%get3A_23, %get3A_24] : memref<128x64xf32, #tpu.memory_space<vmem>>, vector<128x64xf32>
    %dot_general3A = arith.constant dense<0.000000e+00> : vector<1024x64xf32>
    %dot_general3A_26 = tpu.matmul %max3A_20, %get3A_25, %dot_general3A {dimension_numbers = #tpu.dot_dimension_numbers<[1], [0], [0], [1], [0, 0, 1, 1], [], []>, transpose_lhs_hint = false} : vector<1024x128xf32>, vector<128x64xf32>, vector<1024x64xf32> -> vector<1024x64xf32>
    %get3A_27 = arith.constant 0 : index
    %get3A_28 = arith.constant 0 : index
    %get3A_29 = vector.load %arg4[%get3A_27, %get3A_28] : memref<1x64xf32, #tpu.memory_space<vmem>>, vector<1x64xf32>
    %add3A_30 = vector.broadcast %get3A_29 : vector<1x64xf32> to vector<1024x64xf32>
    %add3A_31 = arith.addf %dot_general3A_26, %add3A_30 : vector<1024x64xf32>
    %swap3A_32 = arith.constant 0 : index
    %swap3A_33 = arith.constant 0 : index
    %swap3A_34 = vector.load %arg6[%swap3A_32, %swap3A_33] : memref<1024x64xf32, #tpu.memory_space<vmem>>, vector<1024x64xf32>
    tpu.vector_store %arg6[%swap3A_32, %swap3A_33], %add3A_31 {strides = array<i32>} : memref<1024x64xf32, #tpu.memory_space<vmem>>, vector<1024x64xf32>,
    return
  }
  func.func @transform_0(%arg0: i32) -> (i32, i32, i32) {
    %c0_i32 = arith.constant 0 : i32
    %c0_i32_0 = arith.constant 0 : i32
    %c0_i32_1 = arith.constant 0 : i32
    return %c0_i32, %arg0, %c0_i32_0 : i32, i32, i32
  }
  func.func @transform_1(%arg0: i32) -> (i32, i32) {
    %c0_i32 = arith.constant 0 : i32
    %c0_i32_0 = arith.constant 0 : i32
    %c0_i32_1 = arith.constant 0 : i32
    return %c0_i32, %c0_i32_0 : i32, i32
  }
  func.func @transform_2(%arg0: i32) -> (i32, i32) {
    %c0_i32 = arith.constant 0 : i32
    %c0_i32_0 = arith.constant 0 : i32
    %c0_i32_1 = arith.constant 0 : i32
    return %c0_i32, %c0_i32_0 : i32, i32
  }
  func.func @transform_3(%arg0: i32) -> (i32, i32) {
    %c0_i32 = arith.constant 0 : i32
    %c0_i32_0 = arith.constant 0 : i32
    %c0_i32_1 = arith.constant 0 : i32
    return %c0_i32, %c0_i32_0 : i32, i32
  }
  func.func @transform_4(%arg0: i32) -> (i32, i32) {
    %c0_i32 = arith.constant 0 : i32
    %c0_i32_0 = arith.constant 0 : i32
    return %arg0, %c0_i32 : i32, i32
  }
  func.func @transform_5(%arg0: i32) -> (i32, i32) {
    %c0_i32 = arith.constant 0 : i32
    %c0_i32_0 = arith.constant 0 : i32
    return %arg0, %c0_i32 : i32, i32
  }
}

</mosaic_0001>

<sc_bundles>
// kernel: kernel.10.cloned.1.call-start
scs
__scs_entry_jumppad:
0x0: {  	(pc) =	sbr.rel $0x88, $3  }
0x1: {  	(tag) =	ssettag $0x0;
	lr =	simm.s32 $0x1  }
0x2: {  	[smem:$0x3F8F] =	sst lr;
	_ =	strace $0xD0000000  }
0x3: {  	_ = 	snop  }
0x4: {  	_ = 	snop  }
0x5: {  	_ = 	snop  }
0x6: {  	_ = 	snop  }
0x7: {  	_ = 	snop  }
__scs_overlays_trampoline_lowered:
0x8: {  	[smem:$0x3F9E] =	sst s0  }
0x9: {  	[smem:$0x3F9F] =	sst s1  }
0xa: {  	[smem:$0x3FA0] =	sst s2  }
0xb: {  	[smem:$0x3FA1] =	sst s3  }
0xc: {  	[smem:$0x3FA2] =	sst s4  }
0xd: {  	[smem:$0x3FA3] =	sst s5  }
0xe: {  	[smem:$0x3FA4] =	sst s6  }
0xf: {  	[smem:$0x3FA5] =	sst s7  }
0x10: {  	[smem:$0x3FA6] =	sst s8  }
0x11: {  	[smem:$0x3FA7] =	sst s9;
	s0 =	simm.s32 @!p0 $0x0  }
0x12: {  	s1 =	sld [smem:$0x3F8D];
	s0 =	simm.s32 @p0 $0x1  }
0x13: {  	[smem:$0x3FA8] =	sst s0;
	s0 =	simm.s32 @!p1 $0x0  }
0x14: {  	s2 =	sld [smem:$0x3F8C];
	s0 =	simm.s32 @p1 $0x1  }
0x15: {  	[smem:$0x3FA9] =	sst s0;
	s0 =	simm.s32 @!p2 $0x0  }
0x16: {  	s3 =	sld [smem:$0x3FDB];
	s0 =	simm.s32 @p2 $0x1  }
0x17: {  	s4 =	simm.s32 $0x1BF5;
	[smem:$0x3FAB] =	sst s0  }
0x18: {  	s0 =	sld [smem:$0x3F8E];
	_ =	swait.ge [sflag:s4], $0x0  }
0x19: {  	s7 =	sld [smem:$0x3F8F]  }
0x1a: {  	s8 =	sadd.s32 $0xFFFFE003, lr  }
0x1b: {  	s9 =	sadd.s32 $0xFFFFFEF7, lr;
	s5 =	simm.s32 $0xFFFFFFFF;
	p2 =	slt.u32 s8, $0xFFFFF086  }
0x1c: {  	p1 =	slt.u32 s9, $0xF7A;
	s5 =	simm.s32 @!p2 $0x0  }
0x1d: {  	s5 =	simm.s32 @p1 $0x1;
	p0 =	seq.s32 s7, s2  }
0x1e: {  	s7 =	smul.u32 @!p0 $0xF7A, s2;
	p2 =	seq.s32 @!p0 s5, $0x0  }
0x1f: {  	s9 =	smul.u32 $0xF7A, s1;
	s8 =	simm.s32 @!p0 $0x1BF5;
	p2 =	por !p2, p0  }
0x20: {  	[sflag:s8] =	ssyncset.s32 @!p0 $0xFFFFF086;
	s6 =	sadd.s32 @!p0 s3, s7;
	s7 =	simm.s32 @!p0 $0x108  }
0x21: {  	s3 =	sadd.s32 s3, s9;
	s6 =	sadd.s32 @!p0 $0x88, s6;
	s7 =	simm.s32 @p2 $0x1082  }
0x22: {  	[simem:s7], [sflag:s8] =	dma.local @!p0 [hbm:s6], $0xF7A  }
0x23: {  	s9 =	sor.u32 $0xD0000000, s2;
	s6 =	simm.s32 $0x108;
	_ =	swait.ge @!p0 [sflag:s8], $0x0  }
0x24: {  	s3 =	sadd.s32 $0x88, s3;
	s6 =	simm.s32 @!p1 $0x1082;
	[sflag:s4] =	ssyncset.s32 $0xFFFFF086  }
0x25: {  	[simem:s6], [sflag:s4] =	dma.local [hbm:s3], $0xF7A  }
0x26: {  	[smem:$0x3F8F] =	sst s1;
	(tag) =	ssettag s2;
	_ =	strace s9  }
0x27: {  	s1 =	sld [smem:$0x3F9F]  }
0x28: {  	s2 =	sld [smem:$0x3FA0]  }
0x29: {  	s4 =	sld [smem:$0x3FA2]  }
0x2a: {  	p0 =	seq.s32 s5, $0x0;
	s5 =	sld [smem:$0x3FA3]  }
0x2b: {  	s6 =	sld [smem:$0x3FA4]  }
0x2c: {  	s7 =	sld [smem:$0x3FA5]  }
0x2d: {  	s3 =	simm.s32 $0x108;
	s8 =	sld [smem:$0x3FA6]  }
0x2e: {  	s3 =	simm.s32 @!p0 $0x1082;
	s9 =	sld [smem:$0x3FA7]  }
0x2f: {  	lr =	sadd.s32 s0, s3;
	s0 =	sld [smem:$0x3F9E]  }
0x30: {  	s3 =	sld [smem:$0x3FA1]  }
0x31: {  	[smem:$0x3FAA] =	sst s10  }
0x32: {  	s10 =	sld [smem:$0x3FA8];
	_ =	sdelay $0x3  }
0x33: {  	p0 =	seq.s32 s10, $0x1;
	s10 =	sld [smem:$0x3FAA];
	_ =	sdelay $0x3  }
0x34: {  	[smem:$0x3FAA] =	sst s10  }
0x35: {  	s10 =	sld [smem:$0x3FA9];
	_ =	sdelay $0x3  }
0x36: {  	p1 =	seq.s32 s10, $0x1;
	s10 =	sld [smem:$0x3FAA];
	_ =	sdelay $0x3  }
0x37: {  	[smem:$0x3FAA] =	sst s10  }
0x38: {  	s10 =	sld [smem:$0x3FAB]  }
0x39: {  	_ = 	snop;
	(pc) =	sbr.ind lr, $3  }
0x3a: {  	_ = 	snop  }
0x3b: {  	_ = 	snop  }
0x3c: {  	p2 =	seq.s32 s10, $0x1;
	s10 =	sld [smem:$0x3FAA]  }
0x3d: {  	_ =	shalt  }
0x3e: {  	_ =	shalt  }
0x3f: {  	_ =	shalt  }
0x40: {  	_ =	shalt  }
0x41: {  	_ =	shalt  }
0x42: {  	_ =	shalt  }
0x43: {  	_ =	shalt  }
0x44: {  	_ =	shalt  }
0x45: {  	_ =	shalt  }
0x46: {  	_ =	shalt  }
0x47: {  	_ =	shalt  }
0x48: {  	_ =	shalt  }
0x49: {  	_ =	shalt  }
0x4a: {  	_ =	shalt  }
0x4b: {  	_ =	shalt  }
0x4c: {  	_ =	shalt  }
0x4d: {  	_ =	shalt  }
0x4e: {  	_ =	shalt  }
0x4f: {  	_ =	shalt  }
0x50: {  	_ =	shalt  }
0x51: {  	_ =	shalt  }
0x52: {  	_ =	shalt  }
0x53: {  	_ =	shalt  }
0x54: {  	_ =	shalt  }
0x55: {  	_ =	shalt  }
0x56: {  	_ =	shalt  }
0x57: {  	_ =	shalt  }
0x58: {  	_ =	shalt  }
0x59: {  	_ =	shalt  }
0x5a: {  	_ =	shalt  }
0x5b: {  	_ =	shalt  }
0x5c: {  	_ =	shalt  }
0x5d: {  	_ =	shalt  }
0x5e: {  	_ =	shalt  }
0x5f: {  	_ =	shalt  }
0x60: {  	_ =	shalt  }
0x61: {  	_ =	shalt  }
0x62: {  	_ =	shalt  }
0x63: {  	_ =	shalt  }
0x64: {  	_ =	shalt  }
0x65: {  	_ =	shalt  }
0x66: {  	_ =	shalt  }
0x67: {  	_ =	shalt  }
0x68: {  	_ =	shalt  }
0x69: {  	_ =	shalt  }
0x6a: {  	_ =	shalt  }
0x6b: {  	_ =	shalt  }
0x6c: {  	_ =	shalt  }
0x6d: {  	_ =	shalt  }
0x6e: {  	_ =	shalt  }
0x6f: {  	_ =	shalt  }
0x70: {  	_ =	shalt  }
0x71: {  	_ =	shalt  }
0x72: {  	_ =	shalt  }
0x73: {  	_ =	shalt  }
0x74: {  	_ =	shalt  }
0x75: {  	_ =	shalt  }
0x76: {  	_ =	shalt  }
0x77: {  	_ =	shalt  }
0x78: {  	_ =	shalt  }
0x79: {  	_ =	shalt  }
0x7a: {  	_ =	shalt  }
0x7b: {  	_ =	shalt  }
0x7c: {  	_ =	shalt  }
0x7d: {  	_ =	shalt  }
0x7e: {  	_ =	shalt  }
0x7f: {  	_ =	shalt  }
0x80: {  	_ =	shalt  }
0x81: {  	_ =	shalt  }
0x82: {  	_ =	shalt  }
0x83: {  	_ =	shalt  }
0x84: {  	_ =	shalt  }
0x85: {  	_ =	shalt  }
0x86: {  	_ =	shalt  }
0x87: {  	_ =	shalt  }
.Lfunc_end0:
.L_simem_size_0:
called_computation.1_lowered:
.L_overlay_start_0:
0x88: {  	s2 =	sld [smem:$0x3FD9]  }
0x89: {  	s3 =	sld [smem:$0x3FFE];
	_ =	sdelay $0x1  }
0x8a: {  	s1 =	srdreg.scid  }
0x8b: {  	s0 =	sand.u32 $0x1, s1  }
0x8c: {  	s14 =	sshll.u32 s0, $0xA;
	s2 =	sadd.s32 s3, s2  }
0x8d: {  	s2 =	sadd.s32 s2, s14  }
0x8e: {  	[smem:$0x3FB6] =	sst s2  }
0x8f: {  	_ = 	snop  }
0x90: {  	s2 =	sld [smem:$0x3FD0];
	_ =	sdelay $0x2  }
0x91: {  	s4 =	simm.s32 $0xA;
	s5 =	simm.s32 $0x10;
	s15 =	sld [smem:$0x3FBB]  }
0x92: {  	[smem:s5], [sflag:s4] =	dma.local [hbm:s2], $0x1  }
0x93: {  	_ =	swait.eq [sflag:s4], $0x1  }
0x94: {  	[sflag:s4] =	ssyncset.done $0x0  }
0x95: {  	s16 =	sld [smem:$0x10];
	[sflag:s4] =	ssyncadd.s32 $0xFFFFFFFF  }
0x96: {  	s17 =	sld [smem:$0x11];
	(tm) =	ssettm $0x1  }
0x97: {  	s18 =	sld [smem:$0x3FFB];
	_ =	sdelay $0x3  }
0x98: {  	_ =	strace s18  }
0x99: {  	s5 =	sld [smem:$0x3FFC];
	_ =	sdelay $0x3  }
0x9a: {  	_ =	strace s5  }
0x9b: {  	s5 =	sld [smem:$0x3FFD];
	_ =	sdelay $0x3  }
0x9c: {  	_ =	strace s5  }
0x9d: {  	_ =	strace $0x8FFFFFFF  }
0x9e: {  	s19 =	sld [smem:$0x3FDB];
	_ =	sdelay $0x1  }
0x9f: {  	s6 =	simm.s32 $_scs_section_size  }
0xa0: {  	s7 =	simm.s32 $_size__tile_overlayer_lowered;
	s8 =	simm.s32 $_tile_overlayer_lowered  }
0xa1: {  	s22 =	simm.s32 $0x1BFF;
	s21 =	sshll.u32 s8, $0x1;
	s5 =	sadd.s32 s6, s19  }
0xa2: {  	s9 =	simm.s32 $0x0;
	s20 =	sshll.u32 s7, $0x1;
	s7 =	sadd.s32 s21, s5  }
0xa3: {  	[timem:s9], [sflag:s22] =	dma.local [hbm:s7], s20  }
0xa4: {  	_ =	swait.ge [sflag:s22], s20  }
0xa5: {  	s6 =	ssub.s32 $0x0, s20;
	[sflag:s22] =	ssyncset.done $0x0  }
0xa6: {  	[sflag:s22] =	ssyncadd.s32 s6;
	_ =	sdelay $0x1  }
0xa7: {  	s23 =	simm.s32 $0x1B8B  }
0xa8: {  	_ =	swait.ge [sflag:s23], $0x1  }
0xa9: {  	[sflag:s23] =	ssyncset.done $0x0  }
0xaa: {  	s25 =	simm.s32 $0x1B8E;
	s24 =	sld [smem:$0x3FFE];
	[sflag:s23] =	ssyncadd.s32 $0xFFFFFFFF  }
0xab: {  	s26 =	simm.s32 $execute0_lowered;
	[smem:$0x3FD2] =	sst s25  }
0xac: {  	s7 =	sshll.u32 s26, $0x1;
	_ =	strace $0x80000049;
	[dreg:$0x1] =	wrdreg $0xFFFFFFFF  }
0xad: {  	s28 =	simm.s32 $_size_execute0_lowered;
	s5 =	sadd.s32 s5, s7;
	[dreg:$0x0] =	wrdreg $0x0  }
0xae: {  	s7 =	sshll.u32 s28, $0x1;
	[dreg:$0x2] =	wrdreg s5  }
0xaf: {  	[dreg:$0x3] =	wrdreg s7  }
0xb0: {  	[dreg:$0x4] =	wrdreg $0xC0  }
0xb1: {  	_ =	task [dreg:s9], $0x5FFFF  }
0xb2: {  	[dreg:$0x1] =	wrdreg $0xFFFFFFFF  }
0xb3: {  	[dreg:$0x0] =	wrdreg $0x60  }
0xb4: {  	[dreg:$0x2] =	wrdreg s24  }
0xb5: {  	[dreg:$0x3] =	wrdreg s15  }
0xb6: {  	[dreg:$0x4] =	wrdreg s16  }
0xb7: {  	[dreg:$0x5] =	wrdreg s17  }
0xb8: {  	[dreg:$0x6] =	wrdreg $0x56200  }
0xb9: {  	[dreg:$0x7] =	wrdreg $0x9  }
0xba: {  	_ =	task.clear_ibuf [dreg:s9], $0x8FFFF;
	_ =	strace $0x90000049  }
0xbb: {  	s29 =	simm.s32 $0x9;
	_ =	strace $0x8000004B  }
0xbc: {  	_ =	swait.ge [sflag:s29], $0x1  }
0xbd: {  	[sflag:s29] =	ssyncadd.s32 $0xFFFFFFFF  }
0xbe: {  	_ =	strace $0x9000004B  }
0xbf: {  	_ =	sfence  }
0xc0: {  	s30 =	sld [smem:$0x0];
	_ =	sdelay $0x2  }
0xc1: {  	s31 =	sshll.u32 s1, $0xD;
	s1 =	sshrl.u32 s1, $0x2  }
0xc2: {  	s3 =	sand.u32 $0x4000, s31;
	s1 =	sadd.s32 s1, s30  }
0xc3: {  	s0 =	sor.u32 s3, s0;
	s1 =	sshll.u32 s1, $0x11  }
0xc4: {  	s0 =	sor.u32 s1, s0  }
0xc5: {  	s0 =	sadd.s32 $0x8F2B, s0  }
0xc6: {  	[sflag:s0] =	ssyncadd.remote.s32 $0x1  }
0xc7: {  	_ =	sfence.sel $0xFFFF  }
0xc8: {  	[dreg:$0x0] =	wrdreg $0xFFFFFFFF;
	(pc) =	sbr.abs _section_cstart, $3  }
0xc9: {  	[dreg:$0x1] =	wrdreg $0xFFFFFFFF  }
0xca: {  	_ =	task.clear_ibuf [dreg:s9], $0x2FFFF;
	_ =	strace $0x9FFFFFFF  }
0xcb: {  	(tm) =	ssettm $0x7FFFFFFF  }
tec
execute0_lowered:
.L_overlay_start_1:
0x0: {  	(tag) =	ssettag $0x1  }
0x1: {  	s9 =	rddreg [dreg:$0x0]  }
0x2: {  	s1 =	rddreg [dreg:$0x1]  }
0x3: {  	s3 =	rddreg [dreg:$0x2]  }
0x4: {  	s4 =	rddreg [dreg:$0x3]  }
0x5: {  	s5 =	rddreg [dreg:$0x4]  }
0x6: {  	s0 =	rddreg [dreg:$0x5];
	s2 =	stileid.u32  }
0x7: {  	s7 =	srdreg.scid;
	s6 =	simm.s32 $0x0;
	s16 =	simm.s32 $0x55A0  }
0x8: {  	s17 =	simm.s32 $0x50;
	s18 =	simm.s32 $0xA0;
	s19 =	simm.s32 $0x2DA0  }
0x9: {  	s20 =	simm.s32 $0x0;
	s10 =	smul.u32 $0x16800, s2;
	s11 =	sand.u32 $0x1, s7  }
0xa: {  	[smem:$0x7FF] =	sst s6;
	s7 =	sadd.s32 $0x2A800, s9;
	s8 =	sadd.s32 $0x2800, s9  }
0xb: {  	s29 =	sshll.u32 s2, $0x1;
	s31 =	sshll.u32 s2, $0x6;
	s12 =	smul.u32 $0x168000, s11  }
0xc: {  	_ =	strace $0x8000004A;
	s14 =	ssub.s32 $0x2, s11;
	s11 =	sor.u32 s11, s29  }
0xd: {  	s13 =	sshrl.u32 s10, $0x3;
	s15 =	sshrl.u32 s14, $0x1;
	s30 =	sadd.s32 s10, s5  }
0xe: {  	s11 =	smul.u32 $0x2850, s11;
	s12 =	sadd.s32 s10, s12;
	s13 =	sadd.s32 s13, s9  }
0xf: {  	s14 =	ssub.s32 s14, s15;
	s10 =	sor.u32 $0x1C01, s31;
	s12 =	sshrl.u32 s12, $0x3  }
0x10: {  	s15 =	simm.s32 $0x1;
	s12 =	sadd.s32 s12, s9;
	s9 =	sadd.s32 $0x57800, s13  }
0x11: {  	v0 =	vlaneseq.u32;
	s13 =	smax.u32 s14, $0x1;
	s14 =	sshrl.u32 s30, $0x3;
	s12 =	sadd.s32 $0x84800, s12  }
.LBB2_1:
0x12: {  	[spmem:s14], [sflag:s10] =	dma.local [hbm:s9], $0x2D00  }
0x13: {  	_ =	swait.ge [sflag:s15], $0x2D00  }
0x14: {  	[sflag:s15] =	ssyncset.done $0x0  }
0x15: {  	[sflag:s15] =	ssyncadd.s32 $0xFFFFD300  }
0x16: {  	[tilespmem:s16], [sflag:$0x1] =	stream.linear.gather [hbm4b:s1+s6], $0x80, $0x38;
	[tilespmem:$0x1BE20] =	vst v63  }
0x17: {  	_ =	swait.ge [sflag:s15], $0x80  }
0x18: {  	[sflag:s15] =	ssyncset.done $0x0  }
0x19: {  	[sflag:s15] =	ssyncadd.s32 $0xFFFFFF80  }
0x1a: {  	s21 =	simm.s32 $0x0;
	[bflag:$0x0] =	sbarrier.arrive $0xFFFF  }
.LBB2_2:
0x1b: {  	s22 =	smul.u32 $0x50, s21;
	_ =	sdelay $0x1  }
0x1c: {  	s22 =	sadd.s32 s11, s22  }
0x1d: {  	s23 =	sshrl.u32 s22, $0x3  }
0x1e: {  	s22 =	simm.s32 $0x0;
	s24 =	sadd.s32 s3, s23  }
0x1f: {  	[tilespmem:s22], [sflag:$0x1] =	stream.linear.gather [hbm4b:s24+s22], $0x50, $0x38;
	[tilespmem:$0x1BE20] =	vst v63  }
0x20: {  	_ =	swait.ge [sflag:s15], $0x50  }
0x21: {  	[sflag:s15] =	ssyncset.done $0x0  }
0x22: {  	s23 =	sadd.s32 s4, s23;
	[sflag:s15] =	ssyncadd.s32 $0xFFFFFFB0  }
0x23: {  	[tilespmem:s17], [sflag:$0x1] =	stream.linear.gather [hbm4b:s23+s22], $0x50, $0x38;
	[tilespmem:$0x1BE20] =	vst v63  }
0x24: {  	_ =	swait.ge [sflag:s15], $0x50  }
0x25: {  	[sflag:s15] =	ssyncset.done $0x0  }
0x26: {  	[sflag:s15] =	ssyncadd.s32 $0xFFFFFFB0  }
0x27: {  	[tilespmem:s18], [sflag:$0x1] =	stream.indirect.gather [hbm4b:s7+s17], $0x90, s22, s17, $0xb8;
	[tilespmem:$0x1BE20] =	vst v63  }
0x28: {  	_ =	swait.ge [sflag:s15], $0x2D00  }
0x29: {  	[sflag:s15] =	ssyncset.done $0x0  }
0x2a: {  	[sflag:s15] =	ssyncadd.s32 $0xFFFFD300  }
0x2b: {  	[tilespmem:s19], [sflag:$0x1] =	stream.indirect.gather [hbm4b:s8+s17], $0x80, s17, s17, $0xb8;
	[tilespmem:$0x1BE20] =	vst v63  }
0x2c: {  	_ =	swait.ge [sflag:s15], $0x2800  }
0x2d: {  	[sflag:s15] =	ssyncset.done $0x0  }
0x2e: {  	s23 =	simm.s32 $0x0;
	[sflag:s15] =	ssyncadd.s32 $0xFFFFD800  }
.LBB2_3:
0x2f: {  	s24 =	sshll.u32 s23, $0x4  }
0x30: {  	v2 =	vor.u32 s24, v0  }
0x31: {  	v6 =	vmov s22;
	v1 =	vmul.u32 $0x90, v2  }
0x32: {  	v3 =	vand.u32 $0x78, v6  }
0x33: {  	v4 =	vand.u32 $0x7, v6;
	v2 =	vshll.u32 v2, $0x7;
	v5 =	vadd.s32 v1, v3  }
0x34: {  	v3 =	vor.u32 v2, v3;
	v5 =	vor.u32 v4, v5  }
0x35: {  	v4 =	vor.u32 v4, v3;
	_ =	sdelay $0x1  }
0x36: {  	s30 =	simm.s32 $0x1  }
0x37: {  	v3 =	vmov s30  }
0x38: {  	v7 =	vand.u32 $0x78, v3;
	v8 =	vld.idx.msk [tilespmem:v5+s18+$0x0], $0xffff  }
0x39: {  	v9 =	vadd.s32 v1, v7;
	v5 =	vand.u32 $0x7, v3;
	v10 =	vld.idx.msk [tilespmem:v4+s19+$0x0], $0xffff  }
0x3a: {  	v4 =	vor.u32 v2, v7;
	v9 =	vor.u32 v5, v9  }
0x3b: {  	s31 =	simm.s32 $0x2;
	v12 =	vor.u32 v5, v4  }
0x3c: {  	v5 =	vmov s31  }
0x3d: {  	v13 =	vand.u32 $0x78, v5  }
0x3e: {  	v6 =	vld.idx.msk [tilespmem:v6+s16+$0x0], $0xffff;
	v11 =	vadd.f32 v10, v8;
	v10 =	vand.u32 $0x7, v5;
	v8 =	vadd.s32 v1, v13  }
0x3f: {  	v13 =	vor.u32 v2, v13;
	v7 =	vld.idx.msk [tilespmem:v9+s18+$0x0], $0xffff;
	v9 =	vor.u32 v10, v8  }
0x40: {  	v8 =	vld.idx.msk [tilespmem:v12+s19+$0x0], $0xffff;
	v10 =	vor.u32 v10, v13  }
0x41: {  	s24 =	simm.s32 $0x3;
	v4 =	vimm.f32 $0.0e+00;
	v12 =	vmul.f32 $2.000000030e-01, v11  }
.LBB2_4:
0x42: {  	v13 =	vmov s24;
	p0 =	sne.s32 s24, $0x7F  }
.Ltmp0:
0x43: {  	s24 =	sadd.s32 $0x1, s24;
	v14 =	vand.u32 $0x78, v13;
	v16 =	vmax.f32 v11, v12;
	v12 =	vmovc v6;
	v6 =	vld.idx.msk [tilespmem:v3+s16+$0x0], $0xffff;
	v3 =	vmovc v5;
	v5 =	vmov v13;
	(pc) =	sbr.rel @p0 .LBB2_4-.Ltmp0, $4  }
0x44: {  	v11 =	vmovc v7;
	v13 =	vand.u32 $0x7, v5;
	v15 =	vadd.s32 v1, v14;
	v12 =	vmul.f32 v16, v12;
	v7 =	vld.idx.msk [tilespmem:v9+s18+$0x0], $0xffff  }
0x45: {  	v14 =	vor.u32 v2, v14;
	v11 =	vadd.f32 v8, v11;
	v9 =	vor.u32 v13, v15;
	v8 =	vld.idx.msk [tilespmem:v10+s19+$0x0], $0xffff  }
0x46: {  	v10 =	vor.u32 v13, v14;
	v4 =	vadd.f32 v12, v4  }
0x47: {  	v12 =	vmul.f32 $2.000000030e-01, v11  }
0x48: {  	_ =	sdelay $0x3  }
0x49: {  	v2 =	vld.idx.msk [tilespmem:v9+s18+$0x0], $0xffff  }
0x4a: {  	v60 =	vld.idx.msk [tilespmem:v10+s19+$0x0], $0xffff;
	_ =	sdelay $0x2  }
0x4b: {  	v3 =	vld.idx.msk [tilespmem:v3+s16+$0x0], $0xffff;
	v7 =	vadd.f32 v8, v7;
	_ =	sdelay $0x1  }
0x4c: {  	v5 =	vld.idx.msk [tilespmem:v5+s16+$0x0], $0xffff;
	v61 =	vmax.f32 v11, v12;
	v62 =	vmul.f32 $2.000000030e-01, v7;
	v2 =	vadd.f32 v60, v2  }
0x4d: {  	v6 =	vmul.f32 v61, v6  }
0x4e: {  	v7 =	vmax.f32 v7, v62;
	v63 =	vmul.f32 $2.000000030e-01, v2  }
0x4f: {  	v4 =	vadd.f32 v6, v4;
	v3 =	vmul.f32 v7, v3  }
0x50: {  	v2 =	vmax.f32 v2, v63  }
0x51: {  	v3 =	vadd.f32 v3, v4;
	v2 =	vmul.f32 v2, v5;
	_ =	sdelay $0x1  }
0x52: {  	v2 =	vadd.f32 v2, v3;
	_ =	sdelay $0x1  }
0x53: {  	v2 =	vmul.f32 $1.442695020e+00, v2;
	_ =	sdelay $0x1  }
0x54: {  	s24 =	simm.s32 $0x0;
	(erf) = vpow2.f32 v2  }
0x55: {  	v2 =	vmov s24  }
0x56: {  	v3 =	vand.u32 $0xF8, v2  }
0x57: {  	v2 =	vand.u32 $0x7, v2;
	v3 =	vadd.s32 v1, v3  }
0x58: {  	v3 =	vor.u32 v2, v3;
	_ =	sdelay $0x3  }
0x59: {  	s31 =	simm.s32 $0x1  }
0x5a: {  	v5 =	vmov s31;
	s24 =	simm.s32 $0x2;
	v4 =	vld.idx.msk [tilespmem:v3+s18+$0x0], $0xffff;
	v2 =	vpop (erf)  }
.LBB2_6:
0x5b: {  	p0 =	sne.s32 s24, $0x8F;
	v6 =	vand.u32 $0xF8, v5  }
0x5c: {  	v5 =	vand.u32 $0x7, v5;
	v6 =	vadd.s32 v1, v6  }
0x5d: {  	v5 =	vor.u32 v5, v6;
	_ =	sdelay $0x1  }
.Ltmp1:
0x5e: {  	v4 =	vmul.f32 v4, v2;
	(pc) =	sbr.rel @p0 .LBB2_6-.Ltmp1, $4  }
0x5f: {  	_ = 	snop  }
0x60: {  	[tilespmem:v3+s18+$0x0] =	vst.idx.msk $0xffff, v4;
	v3 =	vmov v5  }
0x61: {  	v4 =	vld.idx.msk [tilespmem:v5+s18+$0x0], $0xffff  }
0x62: {  	v5 =	vmov s24;
	s24 =	sadd.s32 $0x1, s24  }
0x63: {  	v6 =	vand.u32 $0xF8, v5  }
0x64: {  	v63 =	vand.u32 $0x7, v5;
	v1 =	vadd.s32 v1, v6  }
0x65: {  	v1 =	vor.u32 v63, v1;
	_ =	sdelay $0x1  }
0x66: {  	v4 =	vmul.f32 v4, v2;
	_ =	sdelay $0x1  }
0x67: {  	[tilespmem:v3+s18+$0x0] =	vst.idx.msk $0xffff, v4  }
0x68: {  	v3 =	vld.idx.msk [tilespmem:v1+s18+$0x0], $0xffff  }
0x69: {  	s23 =	sadd.s32 $0x1, s23  }
0x6a: {  	p0 =	sne.s32 s23, $0x5  }
.Ltmp2:
0x6b: {  	_ = 	snop;
	(pc) =	sbr.rel @p0 .LBB2_3-.Ltmp2, $3  }
0x6c: {  	_ = 	snop  }
0x6d: {  	v2 =	vmul.f32 v3, v2;
	_ =	sdelay $0x1  }
0x6e: {  	[tilespmem:v1+s18+$0x0] =	vst.idx.msk $0xffff, v2  }
0x6f: {  	s21 =	sadd.s32 $0x1, s21  }
0x70: {  	p0 =	sne.s32 s21, $0x81  }
.Ltmp3:
0x71: {  	_ = 	snop;
	(pc) =	sbr.rel @p0 .LBB2_2-.Ltmp3, $4  }
0x72: {  	[spmem:s5] =	stream.indirect.scatter.add.f32 [tilespmem:s18], [sflag:$0x1], $0x90, s17, s17, $0xb8;
	[tilespmem:$0x1BE20] =	vst v63  }
0x73: {  	_ =	swait.ge [sflag:s15], $0x2D00  }
0x74: {  	[sflag:s15] =	ssyncset.done $0x0  }
0x75: {  	[sflag:s15] =	ssyncadd.s32 $0xFFFFD300  }
0x76: {  	s20 =	sadd.s32 $0x1, s20  }
0x77: {  	p0 =	sne.s32 s20, s13  }
.Ltmp4:
0x78: {  	[bflag:$0x0] =	sbarrier.arrive $0xFFFF;
	(pc) =	sbr.rel @p0 .LBB2_1-.Ltmp4, $4  }
0x79: {  	[hbm:s12], [sflag:s10] =	dma.local [spmem:s14], $0x2D00  }
0x7a: {  	_ =	swait.ge [sflag:s15], $0x2D00  }
0x7b: {  	[sflag:s15] =	ssyncset.done $0x0  }
0x7c: {  	[sflag:s15] =	ssyncadd.s32 $0xFFFFD300  }
0x7d: {  	_ =	sfence.sel $0x180000  }
0x7e: {  	[bflag:$0x0] =	sbarrier.arrive $0xFFFF  }
0x7f: {  	p0 =	sne.s32 s2, $0x0;
	_ =	strace $0x9000004A  }
0x80: {  	s0 =	sadd.s32 @!p0 $0x100000, s0;
	[bflag:$0x2] =	sbarrier.arrive $0xFFFF  }
0x81: {  	[sflag:s0] =	ssyncadd.tile.s32 @!p0 $0x1;
	_ =	shalt  }
.Lfunc_end2:
_tile_overlayer_lowered:
.L_overlay_start_2:
0x82: {  	(tag) =	ssettag $0x2  }
0x83: {  	s0 =	rddreg [dreg:$0x0];
	s2 =	stileid.u32  }
0x84: {  	s1 =	rddreg [dreg:$0x1];
	p0 =	sne.s32 s2, $0x0  }
0x85: {  	s3 =	rddreg [dreg:$0x2];
	[bflag:$0x3] =	sbarrier.arrive $0xFFFF;
	s2 =	simm.s32 @!p0 $0x1C01  }
0x86: {  	[timem:s3], [sflag:s2] =	dma.local @!p0 [hbm:s0], s1  }
0x87: {  	s0 =	simm.s32 @!p0 $0x1  }
0x88: {  	_ =	swait.ge @!p0 [sflag:s0], s1  }
0x89: {  	s1 =	ssub.s32 @!p0 $0x0, s1;
	[sflag:s0] =	ssyncset.done @!p0 $0x0  }
0x8a: {  	[sflag:s0] =	ssyncadd.s32 @!p0 s1  }
0x8b: {  	[bflag:$0x3] =	sbarrier.arrive $0xFFFF  }
0x8c: {  	_ =	shalt  }

// kernel: kernel.7.cloned.1.call-start
scs
__scs_entry_jumppad:
0x0: {  	(pc) =	sbr.rel $0x88, $3  }
0x1: {  	(tag) =	ssettag $0x0;
	lr =	simm.s32 $0x1  }
0x2: {  	[smem:$0x3F8F] =	sst lr;
	_ =	strace $0xD0000000  }
0x3: {  	_ = 	snop  }
0x4: {  	_ = 	snop  }
0x5: {  	_ = 	snop  }
0x6: {  	_ = 	snop  }
0x7: {  	_ = 	snop  }
__scs_overlays_trampoline_lowered:
0x8: {  	[smem:$0x3F9E] =	sst s0  }
0x9: {  	[smem:$0x3F9F] =	sst s1  }
0xa: {  	[smem:$0x3FA0] =	sst s2  }
0xb: {  	[smem:$0x3FA1] =	sst s3  }
0xc: {  	[smem:$0x3FA2] =	sst s4  }
0xd: {  	[smem:$0x3FA3] =	sst s5  }
0xe: {  	[smem:$0x3FA4] =	sst s6  }
0xf: {  	[smem:$0x3FA5] =	sst s7  }
0x10: {  	[smem:$0x3FA6] =	sst s8  }
0x11: {  	[smem:$0x3FA7] =	sst s9;
	s0 =	simm.s32 @!p0 $0x0  }
0x12: {  	s1 =	sld [smem:$0x3F8D];
	s0 =	simm.s32 @p0 $0x1  }
0x13: {  	[smem:$0x3FA8] =	sst s0;
	s0 =	simm.s32 @!p1 $0x0  }
0x14: {  	s2 =	sld [smem:$0x3F8C];
	s0 =	simm.s32 @p1 $0x1  }
0x15: {  	[smem:$0x3FA9] =	sst s0;
	s0 =	simm.s32 @!p2 $0x0  }
0x16: {  	s3 =	sld [smem:$0x3FDB];
	s0 =	simm.s32 @p2 $0x1  }
0x17: {  	s4 =	simm.s32 $0x1BF5;
	[smem:$0x3FAB] =	sst s0  }
0x18: {  	s0 =	sld [smem:$0x3F8E];
	_ =	swait.ge [sflag:s4], $0x0  }
0x19: {  	s7 =	sld [smem:$0x3F8F]  }
0x1a: {  	s8 =	sadd.s32 $0xFFFFE003, lr  }
0x1b: {  	s9 =	sadd.s32 $0xFFFFFEF7, lr;
	s5 =	simm.s32 $0xFFFFFFFF;
	p2 =	slt.u32 s8, $0xFFFFF086  }
0x1c: {  	p1 =	slt.u32 s9, $0xF7A;
	s5 =	simm.s32 @!p2 $0x0  }
0x1d: {  	s5 =	simm.s32 @p1 $0x1;
	p0 =	seq.s32 s7, s2  }
0x1e: {  	s7 =	smul.u32 @!p0 $0xF7A, s2;
	p2 =	seq.s32 @!p0 s5, $0x0  }
0x1f: {  	s9 =	smul.u32 $0xF7A, s1;
	s8 =	simm.s32 @!p0 $0x1BF5;
	p2 =	por !p2, p0  }
0x20: {  	[sflag:s8] =	ssyncset.s32 @!p0 $0xFFFFF086;
	s6 =	sadd.s32 @!p0 s3, s7;
	s7 =	simm.s32 @!p0 $0x108  }
0x21: {  	s3 =	sadd.s32 s3, s9;
	s6 =	sadd.s32 @!p0 $0x88, s6;
	s7 =	simm.s32 @p2 $0x1082  }
0x22: {  	[simem:s7], [sflag:s8] =	dma.local @!p0 [hbm:s6], $0xF7A  }
0x23: {  	s9 =	sor.u32 $0xD0000000, s2;
	s6 =	simm.s32 $0x108;
	_ =	swait.ge @!p0 [sflag:s8], $0x0  }
0x24: {  	s3 =	sadd.s32 $0x88, s3;
	s6 =	simm.s32 @!p1 $0x1082;
	[sflag:s4] =	ssyncset.s32 $0xFFFFF086  }
0x25: {  	[simem:s6], [sflag:s4] =	dma.local [hbm:s3], $0xF7A  }
0x26: {  	[smem:$0x3F8F] =	sst s1;
	(tag) =	ssettag s2;
	_ =	strace s9  }
0x27: {  	s1 =	sld [smem:$0x3F9F]  }
0x28: {  	s2 =	sld [smem:$0x3FA0]  }
0x29: {  	s4 =	sld [smem:$0x3FA2]  }
0x2a: {  	p0 =	seq.s32 s5, $0x0;
	s5 =	sld [smem:$0x3FA3]  }
0x2b: {  	s6 =	sld [smem:$0x3FA4]  }
0x2c: {  	s7 =	sld [smem:$0x3FA5]  }
0x2d: {  	s3 =	simm.s32 $0x108;
	s8 =	sld [smem:$0x3FA6]  }
0x2e: {  	s3 =	simm.s32 @!p0 $0x1082;
	s9 =	sld [smem:$0x3FA7]  }
0x2f: {  	lr =	sadd.s32 s0, s3;
	s0 =	sld [smem:$0x3F9E]  }
0x30: {  	s3 =	sld [smem:$0x3FA1]  }
0x31: {  	[smem:$0x3FAA] =	sst s10  }
0x32: {  	s10 =	sld [smem:$0x3FA8];
	_ =	sdelay $0x3  }
0x33: {  	p0 =	seq.s32 s10, $0x1;
	s10 =	sld [smem:$0x3FAA];
	_ =	sdelay $0x3  }
0x34: {  	[smem:$0x3FAA] =	sst s10  }
0x35: {  	s10 =	sld [smem:$0x3FA9];
	_ =	sdelay $0x3  }
0x36: {  	p1 =	seq.s32 s10, $0x1;
	s10 =	sld [smem:$0x3FAA];
	_ =	sdelay $0x3  }
0x37: {  	[smem:$0x3FAA] =	sst s10  }
0x38: {  	s10 =	sld [smem:$0x3FAB]  }
0x39: {  	_ = 	snop;
	(pc) =	sbr.ind lr, $3  }
0x3a: {  	_ = 	snop  }
0x3b: {  	_ = 	snop  }
0x3c: {  	p2 =	seq.s32 s10, $0x1;
	s10 =	sld [smem:$0x3FAA]  }
0x3d: {  	_ =	shalt  }
0x3e: {  	_ =	shalt  }
0x3f: {  	_ =	shalt  }
0x40: {  	_ =	shalt  }
0x41: {  	_ =	shalt  }
0x42: {  	_ =	shalt  }
0x43: {  	_ =	shalt  }
0x44: {  	_ =	shalt  }
0x45: {  	_ =	shalt  }
0x46: {  	_ =	shalt  }
0x47: {  	_ =	shalt  }
0x48: {  	_ =	shalt  }
0x49: {  	_ =	shalt  }
0x4a: {  	_ =	shalt  }
0x4b: {  	_ =	shalt  }
0x4c: {  	_ =	shalt  }
0x4d: {  	_ =	shalt  }
0x4e: {  	_ =	shalt  }
0x4f: {  	_ =	shalt  }
0x50: {  	_ =	shalt  }
0x51: {  	_ =	shalt  }
0x52: {  	_ =	shalt  }
0x53: {  	_ =	shalt  }
0x54: {  	_ =	shalt  }
0x55: {  	_ =	shalt  }
0x56: {  	_ =	shalt  }
0x57: {  	_ =	shalt  }
0x58: {  	_ =	shalt  }
0x59: {  	_ =	shalt  }
0x5a: {  	_ =	shalt  }
0x5b: {  	_ =	shalt  }
0x5c: {  	_ =	shalt  }
0x5d: {  	_ =	shalt  }
0x5e: {  	_ =	shalt  }
0x5f: {  	_ =	shalt  }
0x60: {  	_ =	shalt  }
0x61: {  	_ =	shalt  }
0x62: {  	_ =	shalt  }
0x63: {  	_ =	shalt  }
0x64: {  	_ =	shalt  }
0x65: {  	_ =	shalt  }
0x66: {  	_ =	shalt  }
0x67: {  	_ =	shalt  }
0x68: {  	_ =	shalt  }
0x69: {  	_ =	shalt  }
0x6a: {  	_ =	shalt  }
0x6b: {  	_ =	shalt  }
0x6c: {  	_ =	shalt  }
0x6d: {  	_ =	shalt  }
0x6e: {  	_ =	shalt  }
0x6f: {  	_ =	shalt  }
0x70: {  	_ =	shalt  }
0x71: {  	_ =	shalt  }
0x72: {  	_ =	shalt  }
0x73: {  	_ =	shalt  }
0x74: {  	_ =	shalt  }
0x75: {  	_ =	shalt  }
0x76: {  	_ =	shalt  }
0x77: {  	_ =	shalt  }
0x78: {  	_ =	shalt  }
0x79: {  	_ =	shalt  }
0x7a: {  	_ =	shalt  }
0x7b: {  	_ =	shalt  }
0x7c: {  	_ =	shalt  }
0x7d: {  	_ =	shalt  }
0x7e: {  	_ =	shalt  }
0x7f: {  	_ =	shalt  }
0x80: {  	_ =	shalt  }
0x81: {  	_ =	shalt  }
0x82: {  	_ =	shalt  }
0x83: {  	_ =	shalt  }
0x84: {  	_ =	shalt  }
0x85: {  	_ =	shalt  }
0x86: {  	_ =	shalt  }
0x87: {  	_ =	shalt  }
.Lfunc_end0:
.L_simem_size_0:
called_computation_lowered:
.L_overlay_start_0:
0x88: {  	s2 =	sld [smem:$0x3FD9]  }
0x89: {  	s3 =	sld [smem:$0x3FFE];
	_ =	sdelay $0x1  }
0x8a: {  	s1 =	srdreg.scid  }
0x8b: {  	s0 =	sand.u32 $0x1, s1  }
0x8c: {  	s14 =	sshll.u32 s0, $0xA;
	s2 =	sadd.s32 s3, s2  }
0x8d: {  	s2 =	sadd.s32 s2, s14  }
0x8e: {  	[smem:$0x3FB6] =	sst s2  }
0x8f: {  	_ = 	snop  }
0x90: {  	s2 =	sld [smem:$0x3FD0];
	_ =	sdelay $0x2  }
0x91: {  	s4 =	simm.s32 $0xA;
	s5 =	simm.s32 $0x10;
	s15 =	sld [smem:$0x3FC1]  }
0x92: {  	[smem:s5], [sflag:s4] =	dma.local [hbm:s2], $0x1  }
0x93: {  	_ =	swait.eq [sflag:s4], $0x1  }
0x94: {  	[sflag:s4] =	ssyncset.done $0x0  }
0x95: {  	s16 =	sld [smem:$0x10];
	[sflag:s4] =	ssyncadd.s32 $0xFFFFFFFF  }
0x96: {  	s17 =	sld [smem:$0x11];
	(tm) =	ssettm $0x1  }
0x97: {  	s18 =	sld [smem:$0x3FFB];
	_ =	sdelay $0x3  }
0x98: {  	_ =	strace s18  }
0x99: {  	s5 =	sld [smem:$0x3FFC];
	_ =	sdelay $0x3  }
0x9a: {  	_ =	strace s5  }
0x9b: {  	s5 =	sld [smem:$0x3FFD];
	_ =	sdelay $0x3  }
0x9c: {  	_ =	strace s5  }
0x9d: {  	_ =	strace $0x8FFFFFFF  }
0x9e: {  	s19 =	sld [smem:$0x3FDB];
	_ =	sdelay $0x1  }
0x9f: {  	s6 =	simm.s32 $_scs_section_size  }
0xa0: {  	s7 =	simm.s32 $_size__tile_overlayer_lowered;
	s8 =	simm.s32 $_tile_overlayer_lowered  }
0xa1: {  	s22 =	simm.s32 $0x1BFF;
	s21 =	sshll.u32 s8, $0x1;
	s5 =	sadd.s32 s6, s19  }
0xa2: {  	s9 =	simm.s32 $0x0;
	s20 =	sshll.u32 s7, $0x1;
	s7 =	sadd.s32 s21, s5  }
0xa3: {  	[timem:s9], [sflag:s22] =	dma.local [hbm:s7], s20  }
0xa4: {  	_ =	swait.ge [sflag:s22], s20  }
0xa5: {  	s6 =	ssub.s32 $0x0, s20;
	[sflag:s22] =	ssyncset.done $0x0  }
0xa6: {  	[sflag:s22] =	ssyncadd.s32 s6;
	_ =	sdelay $0x1  }
0xa7: {  	s23 =	simm.s32 $0x1B8B  }
0xa8: {  	_ =	swait.ge [sflag:s23], $0x1  }
0xa9: {  	[sflag:s23] =	ssyncset.done $0x0  }
0xaa: {  	s25 =	simm.s32 $0x1B8E;
	s24 =	sld [smem:$0x3FFE];
	[sflag:s23] =	ssyncadd.s32 $0xFFFFFFFF  }
0xab: {  	s26 =	simm.s32 $execute0_lowered;
	[smem:$0x3FD2] =	sst s25  }
0xac: {  	s7 =	sshll.u32 s26, $0x1;
	_ =	strace $0x80000046;
	[dreg:$0x1] =	wrdreg $0xFFFFFFFF  }
0xad: {  	s28 =	simm.s32 $_size_execute0_lowered;
	s5 =	sadd.s32 s5, s7;
	[dreg:$0x0] =	wrdreg $0x0  }
0xae: {  	s7 =	sshll.u32 s28, $0x1;
	[dreg:$0x2] =	wrdreg s5  }
0xaf: {  	[dreg:$0x3] =	wrdreg s7  }
0xb0: {  	[dreg:$0x4] =	wrdreg $0xC0  }
0xb1: {  	_ =	task [dreg:s9], $0x5FFFF  }
0xb2: {  	[dreg:$0x1] =	wrdreg $0xFFFFFFFF  }
0xb3: {  	[dreg:$0x0] =	wrdreg $0x60  }
0xb4: {  	[dreg:$0x2] =	wrdreg s24  }
0xb5: {  	[dreg:$0x3] =	wrdreg s15  }
0xb6: {  	[dreg:$0x4] =	wrdreg s16  }
0xb7: {  	[dreg:$0x5] =	wrdreg s17  }
0xb8: {  	[dreg:$0x6] =	wrdreg $0x56200  }
0xb9: {  	[dreg:$0x7] =	wrdreg $0x9  }
0xba: {  	_ =	task.clear_ibuf [dreg:s9], $0x8FFFF;
	_ =	strace $0x90000046  }
0xbb: {  	s29 =	simm.s32 $0x9;
	_ =	strace $0x80000048  }
0xbc: {  	_ =	swait.ge [sflag:s29], $0x1  }
0xbd: {  	[sflag:s29] =	ssyncadd.s32 $0xFFFFFFFF  }
0xbe: {  	_ =	strace $0x90000048  }
0xbf: {  	_ =	sfence  }
0xc0: {  	s30 =	sld [smem:$0x0];
	_ =	sdelay $0x2  }
0xc1: {  	s31 =	sshll.u32 s1, $0xD;
	s1 =	sshrl.u32 s1, $0x2  }
0xc2: {  	s3 =	sand.u32 $0x4000, s31;
	s1 =	sadd.s32 s1, s30  }
0xc3: {  	s0 =	sor.u32 s3, s0;
	s1 =	sshll.u32 s1, $0x11  }
0xc4: {  	s0 =	sor.u32 s1, s0  }
0xc5: {  	s0 =	sadd.s32 $0x8F2B, s0  }
0xc6: {  	[sflag:s0] =	ssyncadd.remote.s32 $0x1  }
0xc7: {  	_ =	sfence.sel $0xFFFF  }
0xc8: {  	[dreg:$0x0] =	wrdreg $0xFFFFFFFF;
	(pc) =	sbr.abs _section_cstart, $3  }
0xc9: {  	[dreg:$0x1] =	wrdreg $0xFFFFFFFF  }
0xca: {  	_ =	task.clear_ibuf [dreg:s9], $0x2FFFF;
	_ =	strace $0x9FFFFFFF  }
0xcb: {  	(tm) =	ssettm $0x7FFFFFFF  }
tec
execute0_lowered:
.L_overlay_start_1:
0x0: {  	(tag) =	ssettag $0x1  }
0x1: {  	s9 =	rddreg [dreg:$0x0]  }
0x2: {  	s1 =	rddreg [dreg:$0x1]  }
0x3: {  	s3 =	rddreg [dreg:$0x2]  }
0x4: {  	s4 =	rddreg [dreg:$0x3]  }
0x5: {  	s5 =	rddreg [dreg:$0x4]  }
0x6: {  	s0 =	rddreg [dreg:$0x5];
	s2 =	stileid.u32  }
0x7: {  	s7 =	srdreg.scid;
	s6 =	simm.s32 $0x0;
	s16 =	simm.s32 $0x55A0  }
0x8: {  	s17 =	simm.s32 $0x50;
	s18 =	simm.s32 $0xA0;
	s19 =	simm.s32 $0x2DA0  }
0x9: {  	s20 =	simm.s32 $0x0;
	s10 =	smul.u32 $0x16800, s2;
	s11 =	sand.u32 $0x1, s7  }
0xa: {  	[smem:$0x7FF] =	sst s6;
	s7 =	sadd.s32 $0x2A800, s9;
	s8 =	sadd.s32 $0x2800, s9  }
0xb: {  	s29 =	sshll.u32 s2, $0x1;
	s31 =	sshll.u32 s2, $0x6;
	s12 =	smul.u32 $0x168000, s11  }
0xc: {  	_ =	strace $0x80000047;
	s14 =	ssub.s32 $0x2, s11;
	s11 =	sor.u32 s11, s29  }
0xd: {  	s13 =	sshrl.u32 s10, $0x3;
	s15 =	sshrl.u32 s14, $0x1;
	s30 =	sadd.s32 s10, s5  }
0xe: {  	s11 =	smul.u32 $0x2850, s11;
	s12 =	sadd.s32 s10, s12;
	s13 =	sadd.s32 s13, s9  }
0xf: {  	s14 =	ssub.s32 s14, s15;
	s10 =	sor.u32 $0x1C01, s31;
	s12 =	sshrl.u32 s12, $0x3  }
0x10: {  	s15 =	simm.s32 $0x1;
	s12 =	sadd.s32 s12, s9;
	s9 =	sadd.s32 $0x57800, s13  }
0x11: {  	v0 =	vlaneseq.u32;
	s13 =	smax.u32 s14, $0x1;
	s14 =	sshrl.u32 s30, $0x3;
	s12 =	sadd.s32 $0x84800, s12  }
.LBB2_1:
0x12: {  	[spmem:s14], [sflag:s10] =	dma.local [hbm:s9], $0x2D00  }
0x13: {  	_ =	swait.ge [sflag:s15], $0x2D00  }
0x14: {  	[sflag:s15] =	ssyncset.done $0x0  }
0x15: {  	[sflag:s15] =	ssyncadd.s32 $0xFFFFD300  }
0x16: {  	[tilespmem:s16], [sflag:$0x1] =	stream.linear.gather [hbm4b:s1+s6], $0x80, $0x38;
	[tilespmem:$0x1BE20] =	vst v63  }
0x17: {  	_ =	swait.ge [sflag:s15], $0x80  }
0x18: {  	[sflag:s15] =	ssyncset.done $0x0  }
0x19: {  	[sflag:s15] =	ssyncadd.s32 $0xFFFFFF80  }
0x1a: {  	s21 =	simm.s32 $0x0;
	[bflag:$0x0] =	sbarrier.arrive $0xFFFF  }
.LBB2_2:
0x1b: {  	s22 =	smul.u32 $0x50, s21;
	_ =	sdelay $0x1  }
0x1c: {  	s22 =	sadd.s32 s11, s22  }
0x1d: {  	s23 =	sshrl.u32 s22, $0x3  }
0x1e: {  	s22 =	simm.s32 $0x0;
	s24 =	sadd.s32 s3, s23  }
0x1f: {  	[tilespmem:s22], [sflag:$0x1] =	stream.linear.gather [hbm4b:s24+s22], $0x50, $0x38;
	[tilespmem:$0x1BE20] =	vst v63  }
0x20: {  	_ =	swait.ge [sflag:s15], $0x50  }
0x21: {  	[sflag:s15] =	ssyncset.done $0x0  }
0x22: {  	s23 =	sadd.s32 s4, s23;
	[sflag:s15] =	ssyncadd.s32 $0xFFFFFFB0  }
0x23: {  	[tilespmem:s17], [sflag:$0x1] =	stream.linear.gather [hbm4b:s23+s22], $0x50, $0x38;
	[tilespmem:$0x1BE20] =	vst v63  }
0x24: {  	_ =	swait.ge [sflag:s15], $0x50  }
0x25: {  	[sflag:s15] =	ssyncset.done $0x0  }
0x26: {  	[sflag:s15] =	ssyncadd.s32 $0xFFFFFFB0  }
0x27: {  	[tilespmem:s18], [sflag:$0x1] =	stream.indirect.gather [hbm4b:s7+s17], $0x90, s22, s17, $0xb8;
	[tilespmem:$0x1BE20] =	vst v63  }
0x28: {  	_ =	swait.ge [sflag:s15], $0x2D00  }
0x29: {  	[sflag:s15] =	ssyncset.done $0x0  }
0x2a: {  	[sflag:s15] =	ssyncadd.s32 $0xFFFFD300  }
0x2b: {  	[tilespmem:s19], [sflag:$0x1] =	stream.indirect.gather [hbm4b:s8+s17], $0x80, s17, s17, $0xb8;
	[tilespmem:$0x1BE20] =	vst v63  }
0x2c: {  	_ =	swait.ge [sflag:s15], $0x2800  }
0x2d: {  	[sflag:s15] =	ssyncset.done $0x0  }
0x2e: {  	s23 =	simm.s32 $0x0;
	[sflag:s15] =	ssyncadd.s32 $0xFFFFD800  }
.LBB2_3:
0x2f: {  	s24 =	sshll.u32 s23, $0x4  }
0x30: {  	v2 =	vor.u32 s24, v0  }
0x31: {  	v6 =	vmov s22;
	v1 =	vmul.u32 $0x90, v2  }
0x32: {  	v3 =	vand.u32 $0x78, v6  }
0x33: {  	v4 =	vand.u32 $0x7, v6;
	v2 =	vshll.u32 v2, $0x7;
	v5 =	vadd.s32 v1, v3  }
0x34: {  	v3 =	vor.u32 v2, v3;
	v5 =	vor.u32 v4, v5  }
0x35: {  	v4 =	vor.u32 v4, v3;
	_ =	sdelay $0x1  }
0x36: {  	s30 =	simm.s32 $0x1  }
0x37: {  	v3 =	vmov s30  }
0x38: {  	v7 =	vand.u32 $0x78, v3;
	v8 =	vld.idx.msk [tilespmem:v5+s18+$0x0], $0xffff  }
0x39: {  	v9 =	vadd.s32 v1, v7;
	v5 =	vand.u32 $0x7, v3;
	v10 =	vld.idx.msk [tilespmem:v4+s19+$0x0], $0xffff  }
0x3a: {  	v4 =	vor.u32 v2, v7;
	v9 =	vor.u32 v5, v9  }
0x3b: {  	s31 =	simm.s32 $0x2;
	v12 =	vor.u32 v5, v4  }
0x3c: {  	v5 =	vmov s31  }
0x3d: {  	v13 =	vand.u32 $0x78, v5  }
0x3e: {  	v6 =	vld.idx.msk [tilespmem:v6+s16+$0x0], $0xffff;
	v11 =	vadd.f32 v10, v8;
	v10 =	vand.u32 $0x7, v5;
	v8 =	vadd.s32 v1, v13  }
0x3f: {  	v13 =	vor.u32 v2, v13;
	v7 =	vld.idx.msk [tilespmem:v9+s18+$0x0], $0xffff;
	v9 =	vor.u32 v10, v8  }
0x40: {  	v8 =	vld.idx.msk [tilespmem:v12+s19+$0x0], $0xffff;
	v10 =	vor.u32 v10, v13  }
0x41: {  	s24 =	simm.s32 $0x3;
	v4 =	vimm.f32 $0.0e+00;
	v12 =	vmul.f32 $2.000000030e-01, v11  }
.LBB2_4:
0x42: {  	v13 =	vmov s24;
	p0 =	sne.s32 s24, $0x7F  }
.Ltmp0:
0x43: {  	s24 =	sadd.s32 $0x1, s24;
	v14 =	vand.u32 $0x78, v13;
	v16 =	vmax.f32 v11, v12;
	v12 =	vmovc v6;
	v6 =	vld.idx.msk [tilespmem:v3+s16+$0x0], $0xffff;
	v3 =	vmovc v5;
	v5 =	vmov v13;
	(pc) =	sbr.rel @p0 .LBB2_4-.Ltmp0, $4  }
0x44: {  	v11 =	vmovc v7;
	v13 =	vand.u32 $0x7, v5;
	v15 =	vadd.s32 v1, v14;
	v12 =	vmul.f32 v16, v12;
	v7 =	vld.idx.msk [tilespmem:v9+s18+$0x0], $0xffff  }
0x45: {  	v14 =	vor.u32 v2, v14;
	v11 =	vadd.f32 v8, v11;
	v9 =	vor.u32 v13, v15;
	v8 =	vld.idx.msk [tilespmem:v10+s19+$0x0], $0xffff  }
0x46: {  	v10 =	vor.u32 v13, v14;
	v4 =	vadd.f32 v12, v4  }
0x47: {  	v12 =	vmul.f32 $2.000000030e-01, v11  }
0x48: {  	_ =	sdelay $0x3  }
0x49: {  	v2 =	vld.idx.msk [tilespmem:v9+s18+$0x0], $0xffff  }
0x4a: {  	v60 =	vld.idx.msk [tilespmem:v10+s19+$0x0], $0xffff;
	_ =	sdelay $0x2  }
0x4b: {  	v3 =	vld.idx.msk [tilespmem:v3+s16+$0x0], $0xffff;
	v7 =	vadd.f32 v8, v7;
	_ =	sdelay $0x1  }
0x4c: {  	v5 =	vld.idx.msk [tilespmem:v5+s16+$0x0], $0xffff;
	v61 =	vmax.f32 v11, v12;
	v62 =	vmul.f32 $2.000000030e-01, v7;
	v2 =	vadd.f32 v60, v2  }
0x4d: {  	v6 =	vmul.f32 v61, v6  }
0x4e: {  	v7 =	vmax.f32 v7, v62;
	v63 =	vmul.f32 $2.000000030e-01, v2  }
0x4f: {  	v4 =	vadd.f32 v6, v4;
	v3 =	vmul.f32 v7, v3  }
0x50: {  	v2 =	vmax.f32 v2, v63  }
0x51: {  	v3 =	vadd.f32 v3, v4;
	v2 =	vmul.f32 v2, v5;
	_ =	sdelay $0x1  }
0x52: {  	v2 =	vadd.f32 v2, v3;
	_ =	sdelay $0x1  }
0x53: {  	v2 =	vmul.f32 $1.442695020e+00, v2;
	_ =	sdelay $0x1  }
0x54: {  	s24 =	simm.s32 $0x0;
	(erf) = vpow2.f32 v2  }
0x55: {  	v2 =	vmov s24  }
0x56: {  	v3 =	vand.u32 $0xF8, v2  }
0x57: {  	v2 =	vand.u32 $0x7, v2;
	v3 =	vadd.s32 v1, v3  }
0x58: {  	v3 =	vor.u32 v2, v3;
	_ =	sdelay $0x3  }
0x59: {  	s31 =	simm.s32 $0x1  }
0x5a: {  	v5 =	vmov s31;
	s24 =	simm.s32 $0x2;
	v4 =	vld.idx.msk [tilespmem:v3+s18+$0x0], $0xffff;
	v2 =	vpop (erf)  }
.LBB2_6:
0x5b: {  	p0 =	sne.s32 s24, $0x8F;
	v6 =	vand.u32 $0xF8, v5  }
0x5c: {  	v5 =	vand.u32 $0x7, v5;
	v6 =	vadd.s32 v1, v6  }
0x5d: {  	v5 =	vor.u32 v5, v6;
	_ =	sdelay $0x1  }
.Ltmp1:
0x5e: {  	v4 =	vmul.f32 v4, v2;
	(pc) =	sbr.rel @p0 .LBB2_6-.Ltmp1, $4  }
0x5f: {  	_ = 	snop  }
0x60: {  	[tilespmem:v3+s18+$0x0] =	vst.idx.msk $0xffff, v4;
	v3 =	vmov v5  }
0x61: {  	v4 =	vld.idx.msk [tilespmem:v5+s18+$0x0], $0xffff  }
0x62: {  	v5 =	vmov s24;
	s24 =	sadd.s32 $0x1, s24  }
0x63: {  	v6 =	vand.u32 $0xF8, v5  }
0x64: {  	v63 =	vand.u32 $0x7, v5;
	v1 =	vadd.s32 v1, v6  }
0x65: {  	v1 =	vor.u32 v63, v1;
	_ =	sdelay $0x1  }
0x66: {  	v4 =	vmul.f32 v4, v2;
	_ =	sdelay $0x1  }
0x67: {  	[tilespmem:v3+s18+$0x0] =	vst.idx.msk $0xffff, v4  }
0x68: {  	v3 =	vld.idx.msk [tilespmem:v1+s18+$0x0], $0xffff  }
0x69: {  	s23 =	sadd.s32 $0x1, s23  }
0x6a: {  	p0 =	sne.s32 s23, $0x5  }
.Ltmp2:
0x6b: {  	_ = 	snop;
	(pc) =	sbr.rel @p0 .LBB2_3-.Ltmp2, $3  }
0x6c: {  	_ = 	snop  }
0x6d: {  	v2 =	vmul.f32 v3, v2;
	_ =	sdelay $0x1  }
0x6e: {  	[tilespmem:v1+s18+$0x0] =	vst.idx.msk $0xffff, v2  }
0x6f: {  	s21 =	sadd.s32 $0x1, s21  }
0x70: {  	p0 =	sne.s32 s21, $0x81  }
.Ltmp3:
0x71: {  	_ = 	snop;
	(pc) =	sbr.rel @p0 .LBB2_2-.Ltmp3, $4  }
0x72: {  	[spmem:s5] =	stream.indirect.scatter.add.f32 [tilespmem:s18], [sflag:$0x1], $0x90, s17, s17, $0xb8;
	[tilespmem:$0x1BE20] =	vst v63  }
0x73: {  	_ =	swait.ge [sflag:s15], $0x2D00  }
0x74: {  	[sflag:s15] =	ssyncset.done $0x0  }
0x75: {  	[sflag:s15] =	ssyncadd.s32 $0xFFFFD300  }
0x76: {  	s20 =	sadd.s32 $0x1, s20  }
0x77: {  	p0 =	sne.s32 s20, s13  }
.Ltmp4:
0x78: {  	[bflag:$0x0] =	sbarrier.arrive $0xFFFF;
	(pc) =	sbr.rel @p0 .LBB2_1-.Ltmp4, $4  }
0x79: {  	[hbm:s12], [sflag:s10] =	dma.local [spmem:s14], $0x2D00  }
0x7a: {  	_ =	swait.ge [sflag:s15], $0x2D00  }
0x7b: {  	[sflag:s15] =	ssyncset.done $0x0  }
0x7c: {  	[sflag:s15] =	ssyncadd.s32 $0xFFFFD300  }
0x7d: {  	_ =	sfence.sel $0x180000  }
0x7e: {  	[bflag:$0x0] =	sbarrier.arrive $0xFFFF  }
0x7f: {  	p0 =	sne.s32 s2, $0x0;
	_ =	strace $0x90000047  }
0x80: {  	s0 =	sadd.s32 @!p0 $0x100000, s0;
	[bflag:$0x2] =	sbarrier.arrive $0xFFFF  }
0x81: {  	[sflag:s0] =	ssyncadd.tile.s32 @!p0 $0x1;
	_ =	shalt  }
.Lfunc_end2:
_tile_overlayer_lowered:
.L_overlay_start_2:
0x82: {  	(tag) =	ssettag $0x2  }
0x83: {  	s0 =	rddreg [dreg:$0x0];
	s2 =	stileid.u32  }
0x84: {  	s1 =	rddreg [dreg:$0x1];
	p0 =	sne.s32 s2, $0x0  }
0x85: {  	s3 =	rddreg [dreg:$0x2];
	[bflag:$0x3] =	sbarrier.arrive $0xFFFF;
	s2 =	simm.s32 @!p0 $0x1C01  }
0x86: {  	[timem:s3], [sflag:s2] =	dma.local @!p0 [hbm:s0], s1  }
0x87: {  	s0 =	simm.s32 @!p0 $0x1  }
0x88: {  	_ =	swait.ge @!p0 [sflag:s0], s1  }
0x89: {  	s1 =	ssub.s32 @!p0 $0x0, s1;
	[sflag:s0] =	ssyncset.done @!p0 $0x0  }
0x8a: {  	[sflag:s0] =	ssyncadd.s32 @!p0 s1  }
0x8b: {  	[bflag:$0x3] =	sbarrier.arrive $0xFFFF  }
0x8c: {  	_ =	shalt  }

</sc_bundles>
